<compile_context>
chip_gen: v7x
topology: tpu7x:2x2x1
jax: 0.10.2.dev20260603
libtpu: 0.0.44.dev20260713+nightly
codegen_flags: <defaults>
</compile_context>

<pallas_src>
import functools

import jax
import jax.numpy as jnp
from jax import lax
from jax.experimental import pallas as pl
from jax.experimental.pallas import tpu as pltpu
from jax.experimental.pallas import tpu_sc as plsc

B = 32
N = 8192
KSEL = 256
L = 16
NCHUNK = N // L
NC = 2
NS = 16

SEG = N + 32
BUFLEN = 2 * SEG
HI_BASE = 0
LO_BASE = SEG

BITS_HI = 0x7F800001

PA = 0x3FF33333
PB = 0x401CCCCD


def _partition_pass(src, dst, state, lanes):
    lo, hi, goal, off, n = state
    done = (hi - lo) <= 1
    small = jnp.logical_not(done) & (n <= L)
    active = jnp.logical_not(done) & jnp.logical_not(small)
    mid = lo + ((hi - lo) >> 1)
    nch = jnp.where(active, (n + L - 1) // L, 0)

    def body(i, carry):
        phi, plo = carry
        base = i * L
        bits = src[pl.ds(off + base, L)]
        valid = lanes < (n - base)
        mhi = valid & (bits >= mid)
        mlo = valid & (bits < mid)
        chi = jnp.sum(mhi.astype(jnp.int32))
        clo = jnp.sum(mlo.astype(jnp.int32))
        plsc.store_compressed(dst.at[pl.ds(HI_BASE + phi, L)], bits, mask=mhi)
        plsc.store_compressed(dst.at[pl.ds(LO_BASE + plo, L)], bits, mask=mlo)
        return (phi + chi, plo + clo)

    chi_t, clo_t = lax.fori_loop(0, nch, body, (jnp.int32(0), jnp.int32(0)))

    v = src[pl.ds(off, L)]
    sk = plsc.sort_key_val(v, v, mask=lanes < n, descending=True)[0]
    pick = jnp.sum(jnp.where(lanes == goal - 1, sk, jnp.int32(0)))

    take_hi = chi_t >= goal
    lo2 = jnp.where(done, lo,
                    jnp.where(small, pick, jnp.where(take_hi, mid, lo)))
    hi2 = jnp.where(done, hi,
                    jnp.where(small, pick + 1, jnp.where(take_hi, hi, mid)))
    keep = done | small
    goal2 = jnp.where(keep | take_hi, goal, goal - chi_t)
    off2 = jnp.where(keep, off, jnp.where(take_hi, HI_BASE, LO_BASE))
    n2 = jnp.where(keep, n, jnp.where(take_hi, chi_t, clo_t))
    return (lo2, hi2, goal2, off2, n2)


def _kwta_body(x_hbm, out_hbm, row_v, b0, b1,
               si0, si1, si2, si3, so0, so1, so2, so3):
    wid = lax.axis_index("s") * NC + lax.axis_index("c")

    SECN = 2
    SECE = N // SECN
    in_sems = (si0, si1)
    out_sems = (so0, so1)
    in_copies = [
        pltpu.make_async_copy(
            x_hbm.at[wid, pl.ds(s * SECE, SECE)],
            row_v.at[pl.ds(s * SECE, SECE)], in_sems[s])
        for s in range(SECN)
    ]
    for c in in_copies:
        c.start()

    lanes = lax.iota(jnp.int32, L)

    def p1_body(i, carry):
        qm, cv = carry
        xc = row_v[pl.ds(i * L, L)]
        bits = plsc.bitcast(xc, jnp.int32) & jnp.int32(0x7FFFFFFF)
        geb = bits >= PB
        m_mid = (bits >= PA) & jnp.logical_not(geb)
        c_mid = jnp.sum(m_mid.astype(jnp.int32))
        plsc.store_compressed(b0.at[pl.ds(qm, L)], bits, mask=m_mid)
        return (qm + c_mid, cv + geb.astype(jnp.int32))

    zv = jnp.zeros((L,), jnp.int32)
    carry = (jnp.int32(0), zv)
    for s in range(SECN):
        in_copies[s].wait()
        carry = plsc.parallel_loop(
            s * (NCHUNK // SECN), (s + 1) * (NCHUNK // SECN),
            carry=carry, unroll=8)(p1_body)
    n_mid, cv = carry
    c_hi = jnp.sum(cv)
    hi_cap = jnp.int32(BITS_HI)

    in_band = (c_hi < KSEL) & (c_hi + n_mid >= KSEL)

    s_lo = jnp.where(c_hi >= KSEL, jnp.int32(PB), jnp.int32(0))
    s_hi = jnp.where(c_hi >= KSEL, jnp.int32(BITS_HI), jnp.int32(PA))

    def fb(_):
        def fbody(i, q):
            xc = row_v[pl.ds(i * L, L)]
            bits = plsc.bitcast(xc, jnp.int32) & jnp.int32(0x7FFFFFFF)
            m = (bits >= s_lo) & (bits < s_hi)
            c = jnp.sum(m.astype(jnp.int32))
            plsc.store_compressed(b0.at[pl.ds(SEG + q, L)], bits, mask=m)
            return q + c

        return lax.fori_loop(0, NCHUNK, fbody, jnp.int32(0))

    nfb = lax.cond(in_band, lambda _: jnp.int32(0), fb, 0)

    state = (
        jnp.where(in_band, jnp.int32(PA), s_lo),
        jnp.where(in_band, jnp.int32(PB), s_hi),
        jnp.where(c_hi >= KSEL, jnp.int32(KSEL),
                  jnp.where(in_band, KSEL - c_hi, KSEL - c_hi - n_mid)),
        jnp.where(in_band, jnp.int32(HI_BASE), jnp.int32(SEG)),
        jnp.where(in_band, n_mid, nfb),
    )

    def dbl(st):
        st = _partition_pass(b0, b1, st, lanes)
        st = _partition_pass(b1, b0, st, lanes)
        return st

    state = lax.while_loop(lambda st: (st[1] - st[0]) > 1, dbl, state)
    thresh = state[0]

    def fin_body(i):
        xc = row_v[pl.ds(i * L, L)]
        bits = plsc.bitcast(xc, jnp.int32) & jnp.int32(0x7FFFFFFF)
        row_v[pl.ds(i * L, L)] = jnp.where(bits >= thresh, xc, jnp.float32(0.0))

    out_copies = []
    for s in range(SECN):
        plsc.parallel_loop(
            s * (NCHUNK // SECN), (s + 1) * (NCHUNK // SECN),
            unroll=8)(fin_body)
        c = pltpu.make_async_copy(
            row_v.at[pl.ds(s * SECE, SECE)],
            out_hbm.at[wid, pl.ds(s * SECE, SECE)], out_sems[s])
        c.start()
        out_copies.append(c)
    for c in out_copies:
        c.wait()


@functools.cache
def _kwta():
    mesh = plsc.VectorSubcoreMesh(core_axis_name="c", subcore_axis_name="s",
                                  num_cores=NC, num_subcores=NS)
    return pl.kernel(
        _kwta_body,
        out_type=jax.ShapeDtypeStruct((B, N), jnp.float32),
        mesh=mesh,
        scratch_types=[
            pltpu.VMEM((N,), jnp.float32),
            pltpu.VMEM((BUFLEN,), jnp.int32),
            pltpu.VMEM((BUFLEN,), jnp.int32),
        ] + [pltpu.SemaphoreType.DMA] * 8,
        compiler_params=pltpu.CompilerParams(needs_layout_passes=False),
    )


@jax.jit
def kernel(input_tensor):
    return _kwta()(input_tensor)

# --- scband reference (transcript-rebuilt; emitter-appended) ---
"""Pipeline reference for scband-k-wta-84138409328691 (READ-ONLY COPY).

The authoritative reference and input builder live on the scoring server;
editing this copy changes nothing except your own understanding.
"""

import jax, jax.numpy as jnp
import numpy as np

K = 256

def setup_inputs(seed: int = 0) -> dict:
    key = jax.random.key(seed)
    x = jax.random.normal(key, (32, 8192), dtype=jnp.float32)
    return {"input_tensor": x}

def reference(input_tensor):
    # faithful translation of kWTA.call
    # top_k over |x| along last dim
    _, k_winners_idx = jax.lax.top_k(jnp.abs(input_tensor), K)
    # one-hot each winner index over the last dim: [B, K, N]
    one_hot_k_winners = jax.nn.one_hot(k_winners_idx, input_tensor.shape[-1], dtype=input_tensor.dtype)
    # collapse K winners into a multi-hot mask: [B, N]
    last_dim_multi_hot = jnp.max(one_hot_k_winners, axis=-2)
    return input_tensor * last_dim_multi_hot

if __name__ == "__main__":
    import jax
    _d = setup_inputs()
    print(jax.jit(kernel)(*tuple(_d.values())))

</pallas_src>

<mosaic_0001>
#map = affine_map<(d0, d1) -> (0, 0)>
module attributes {stable_mosaic.version = 14 : i64} {
  func.func @_kwta_body(%arg0: i32, %arg1: i32, %arg2: memref<32x8192xf32, #tpu.memory_space<hbm>>, %arg3: memref<32x8192xf32, #tpu.memory_space<hbm>>, %arg4: memref<8192xf32, #tpu.memory_space<vmem>>, %arg5: memref<16448xi32, #tpu.memory_space<vmem>>, %arg6: memref<16448xi32, #tpu.memory_space<vmem>>, %arg7: memref<!tpu.dma_semaphore, #tpu.memory_space<semaphore_mem>>, %arg8: memref<!tpu.dma_semaphore, #tpu.memory_space<semaphore_mem>>, %arg9: memref<!tpu.dma_semaphore, #tpu.memory_space<semaphore_mem>>, %arg10: memref<!tpu.dma_semaphore, #tpu.memory_space<semaphore_mem>>, %arg11: memref<!tpu.dma_semaphore, #tpu.memory_space<semaphore_mem>>, %arg12: memref<!tpu.dma_semaphore, #tpu.memory_space<semaphore_mem>>, %arg13: memref<!tpu.dma_semaphore, #tpu.memory_space<semaphore_mem>>, %arg14: memref<!tpu.dma_semaphore, #tpu.memory_space<semaphore_mem>>) attributes {dimension_semantics = [#tpu.dimension_semantics<core_parallel>, #tpu.dimension_semantics<subcore_parallel>], iteration_bounds = array<i64: 2, 16>, scalar_prefetch = 0 : i64, scratch_operands = 11 : i64, tpu.core_type = #tpu.core_type<sc_vector_subcore>, window_params = [{transform_indices = #map}, {transform_indices = #map}]} {
    %mul3A = arith.constant 2 : i32
    %mul3A_0 = arith.muli %arg1, %mul3A : i32
    %add3A = arith.addi %mul3A_0, %arg0 : i32
    %dma_start3A = arith.constant 0 : i32
    %dma_start3A_1 = tpu.memref_slice %arg4[%dma_start3A] : memref<8192xf32, #tpu.memory_space<vmem>> -> memref<4096xf32, #tpu.memory_space<vmem>>
    %dma_start3A_2 = arith.constant 0 : i32
    %dma_start3A_3 = tpu.memref_slice %arg2[%add3A, %dma_start3A_2] : memref<32x8192xf32, #tpu.memory_space<hbm>> -> memref<1x4096xf32, #tpu.memory_space<hbm>>
    %dma_start3A_4 = tpu.memref_squeeze %dma_start3A_3 : memref<1x4096xf32, #tpu.memory_space<hbm>> -> memref<4096xf32, #tpu.memory_space<hbm>>
    %dma_start3A_5 = arith.constant 0 : i32
    %dma_start3A_6 = tpu.memref_slice %arg4[%dma_start3A_5] : memref<8192xf32, #tpu.memory_space<vmem>> -> memref<4096xf32, #tpu.memory_space<vmem>>
    %dma_start3A_7 = arith.constant 0 : i32
    %dma_start3A_8 = tpu.memref_slice %arg2[%add3A, %dma_start3A_7] : memref<32x8192xf32, #tpu.memory_space<hbm>> -> memref<1x4096xf32, #tpu.memory_space<hbm>>
    %dma_start3A_9 = tpu.memref_squeeze %dma_start3A_8 : memref<1x4096xf32, #tpu.memory_space<hbm>> -> memref<4096xf32, #tpu.memory_space<hbm>>
    tpu.enqueue_dma source(%dma_start3A_9 : memref<4096xf32, #tpu.memory_space<hbm>>) target(%dma_start3A_6 : memref<4096xf32, #tpu.memory_space<vmem>>) target_semaphore(%arg7 : memref<!tpu.dma_semaphore, #tpu.memory_space<semaphore_mem>>)
    %dma_start3A_10 = arith.constant 4096 : i32
    %dma_start3A_11 = tpu.memref_slice %arg4[%dma_start3A_10] : memref<8192xf32, #tpu.memory_space<vmem>> -> memref<4096xf32, #tpu.memory_space<vmem>>
    %dma_start3A_12 = arith.constant 4096 : i32
    %dma_start3A_13 = tpu.memref_slice %arg2[%add3A, %dma_start3A_12] : memref<32x8192xf32, #tpu.memory_space<hbm>> -> memref<1x4096xf32, #tpu.memory_space<hbm>>
    %dma_start3A_14 = tpu.memref_squeeze %dma_start3A_13 : memref<1x4096xf32, #tpu.memory_space<hbm>> -> memref<4096xf32, #tpu.memory_space<hbm>>
    %dma_start3A_15 = arith.constant 4096 : i32
    %dma_start3A_16 = tpu.memref_slice %arg4[%dma_start3A_15] : memref<8192xf32, #tpu.memory_space<vmem>> -> memref<4096xf32, #tpu.memory_space<vmem>>
    %dma_start3A_17 = arith.constant 4096 : i32
    %dma_start3A_18 = tpu.memref_slice %arg2[%add3A, %dma_start3A_17] : memref<32x8192xf32, #tpu.memory_space<hbm>> -> memref<1x4096xf32, #tpu.memory_space<hbm>>
    %dma_start3A_19 = tpu.memref_squeeze %dma_start3A_18 : memref<1x4096xf32, #tpu.memory_space<hbm>> -> memref<4096xf32, #tpu.memory_space<hbm>>
    tpu.enqueue_dma source(%dma_start3A_19 : memref<4096xf32, #tpu.memory_space<hbm>>) target(%dma_start3A_16 : memref<4096xf32, #tpu.memory_space<vmem>>) target_semaphore(%arg8 : memref<!tpu.dma_semaphore, #tpu.memory_space<semaphore_mem>>)
    %iota3A = tpu.iota {dimensions = array<i32: 0>} : vector<16xi32>
    %broadcast_in_dim3A = arith.constant 0 : i32
    %broadcast_in_dim3A_20 = vector.broadcast %broadcast_in_dim3A : i32 to vector<16xi32>
    %dma_wait3A = arith.constant 0 : i32
    %dma_wait3A_21 = tpu.memref_slice %arg4[%dma_wait3A] : memref<8192xf32, #tpu.memory_space<vmem>> -> memref<4096xf32, #tpu.memory_space<vmem>>
    %dma_wait3A_22 = arith.constant 0 : i32
    %dma_wait3A_23 = tpu.memref_slice %arg2[%add3A, %dma_wait3A_22] : memref<32x8192xf32, #tpu.memory_space<hbm>> -> memref<1x4096xf32, #tpu.memory_space<hbm>>
    %dma_wait3A_24 = tpu.memref_squeeze %dma_wait3A_23 : memref<1x4096xf32, #tpu.memory_space<hbm>> -> memref<4096xf32, #tpu.memory_space<hbm>>
    %dma_wait3A_25 = arith.constant 0 : i32
    %dma_wait3A_26 = tpu.memref_slice %arg4[%dma_wait3A_25] : memref<8192xf32, #tpu.memory_space<vmem>> -> memref<4096xf32, #tpu.memory_space<vmem>>
    %dma_wait3A_27 = arith.constant 0 : i32
    %dma_wait3A_28 = tpu.memref_slice %arg2[%add3A, %dma_wait3A_27] : memref<32x8192xf32, #tpu.memory_space<hbm>> -> memref<1x4096xf32, #tpu.memory_space<hbm>>
    %dma_wait3A_29 = tpu.memref_squeeze %dma_wait3A_28 : memref<1x4096xf32, #tpu.memory_space<hbm>> -> memref<4096xf32, #tpu.memory_space<hbm>>
    tpu.wait_dma2 semaphore(%arg7 : memref<!tpu.dma_semaphore, #tpu.memory_space<semaphore_mem>>) src(%dma_wait3A_29 : memref<4096xf32, #tpu.memory_space<hbm>>) dst(%dma_wait3A_26 : memref<4096xf32, #tpu.memory_space<vmem>>)
    %parallel_loop3A = arith.constant 0 : i32
    %parallel_loop3A_30 = arith.constant 256 : i32
    %parallel_loop3A_31 = arith.constant 1 : i32
    %parallel_loop3A_32 = arith.constant 0 : i32
    %parallel_loop3A_33:2 = scf.for %parallel_loop3A_128 = %parallel_loop3A to %parallel_loop3A_30 step %parallel_loop3A_31 iter_args(%parallel_loop3A_129 = %parallel_loop3A_32, %parallel_loop3A_130 = %broadcast_in_dim3A_20) -> (i32, vector<16xi32>)  : i32 {
      %parallel_loop3A_131 = arith.constant 16 : i32
      %parallel_loop3A_132 = arith.muli %parallel_loop3A_128, %parallel_loop3A_131 : i32
      %parallel_loop3A_133 = arith.index_cast %parallel_loop3A_132 : i32 to index
      %parallel_loop3A_134 = tpu.vector_load %arg4[%parallel_loop3A_133] {strides = array<i32>} : memref<8192xf32, #tpu.memory_space<vmem>>, vector<16xf32>,
      %parallel_loop3A_135 = vector.bitcast %parallel_loop3A_134 : vector<16xf32> to vector<16xi32>
      %parallel_loop3A_136 = arith.constant 2147483647 : i32
      %parallel_loop3A_137 = vector.broadcast %parallel_loop3A_136 : i32 to vector<16xi32>
      %parallel_loop3A_138 = arith.andi %parallel_loop3A_135, %parallel_loop3A_137 : vector<16xi32>
      %parallel_loop3A_139 = arith.constant 1075629261 : i32
      %parallel_loop3A_140 = vector.broadcast %parallel_loop3A_139 : i32 to vector<16xi32>
      %parallel_loop3A_141 = arith.cmpi sge, %parallel_loop3A_138, %parallel_loop3A_140 : vector<16xi32>
      %parallel_loop3A_142 = arith.constant 1072902963 : i32
      %parallel_loop3A_143 = vector.broadcast %parallel_loop3A_142 : i32 to vector<16xi32>
      %parallel_loop3A_144 = arith.cmpi sge, %parallel_loop3A_138, %parallel_loop3A_143 : vector<16xi32>
      %parallel_loop3A_145 = arith.constant dense<true> : vector<16xi1>
      %parallel_loop3A_146 = arith.xori %parallel_loop3A_141, %parallel_loop3A_145 : vector<16xi1>
      %parallel_loop3A_147 = arith.andi %parallel_loop3A_144, %parallel_loop3A_146 : vector<16xi1>
      %parallel_loop3A_148 = arith.extui %parallel_loop3A_147 : vector<16xi1> to vector<16xi32>
      %parallel_loop3A_149 = arith.constant true
      %parallel_loop3A_150 = vector.broadcast %parallel_loop3A_149 : i1 to vector<16xi1>
      %parallel_loop3A_151 = tpu.scan <sum>, %parallel_loop3A_148 masked %parallel_loop3A_150 : vector<16xi32>, vector<16xi1> -> vector<16xi32>
      %parallel_loop3A_152 = vector.extract %parallel_loop3A_151[15] : i32 from vector<16xi32>
      %parallel_loop3A_153 = arith.index_cast %parallel_loop3A_129 : i32 to index
      %parallel_loop3A_154 = tpu.vector_load %arg5[%parallel_loop3A_153] masked %parallel_loop3A_147 {strides = array<i32>} : memref<16448xi32, #tpu.memory_space<vmem>>, vector<16xi32>, vector<16xi1>
      tpu.vector_store %arg5[%parallel_loop3A_153], %parallel_loop3A_138 masked %parallel_loop3A_147 {strides = array<i32>} : memref<16448xi32, #tpu.memory_space<vmem>>, vector<16xi32>, vector<16xi1>
      %parallel_loop3A_155 = arith.addi %parallel_loop3A_129, %parallel_loop3A_152 : i32
      %parallel_loop3A_156 = arith.extui %parallel_loop3A_141 : vector<16xi1> to vector<16xi32>
      %parallel_loop3A_157 = arith.addi %parallel_loop3A_130, %parallel_loop3A_156 : vector<16xi32>
      scf.yield %parallel_loop3A_155, %parallel_loop3A_157 : i32, vector<16xi32>
    } {sc.loop_unroll_factor = 8 : i64, sc.parallel_access}
    %dma_wait3A_34 = arith.constant 4096 : i32
    %dma_wait3A_35 = tpu.memref_slice %arg4[%dma_wait3A_34] : memref<8192xf32, #tpu.memory_space<vmem>> -> memref<4096xf32, #tpu.memory_space<vmem>>
    %dma_wait3A_36 = arith.constant 4096 : i32
    %dma_wait3A_37 = tpu.memref_slice %arg2[%add3A, %dma_wait3A_36] : memref<32x8192xf32, #tpu.memory_space<hbm>> -> memref<1x4096xf32, #tpu.memory_space<hbm>>
    %dma_wait3A_38 = tpu.memref_squeeze %dma_wait3A_37 : memref<1x4096xf32, #tpu.memory_space<hbm>> -> memref<4096xf32, #tpu.memory_space<hbm>>
    %dma_wait3A_39 = arith.constant 4096 : i32
    %dma_wait3A_40 = tpu.memref_slice %arg4[%dma_wait3A_39] : memref<8192xf32, #tpu.memory_space<vmem>> -> memref<4096xf32, #tpu.memory_space<vmem>>
    %dma_wait3A_41 = arith.constant 4096 : i32
    %dma_wait3A_42 = tpu.memref_slice %arg2[%add3A, %dma_wait3A_41] : memref<32x8192xf32, #tpu.memory_space<hbm>> -> memref<1x4096xf32, #tpu.memory_space<hbm>>
    %dma_wait3A_43 = tpu.memref_squeeze %dma_wait3A_42 : memref<1x4096xf32, #tpu.memory_space<hbm>> -> memref<4096xf32, #tpu.memory_space<hbm>>
    tpu.wait_dma2 semaphore(%arg8 : memref<!tpu.dma_semaphore, #tpu.memory_space<semaphore_mem>>) src(%dma_wait3A_43 : memref<4096xf32, #tpu.memory_space<hbm>>) dst(%dma_wait3A_40 : memref<4096xf32, #tpu.memory_space<vmem>>)
    %parallel_loop3A_44 = arith.constant 256 : i32
    %parallel_loop3A_45 = arith.constant 512 : i32
    %parallel_loop3A_46 = arith.constant 1 : i32
    %parallel_loop3A_47:2 = scf.for %parallel_loop3A_128 = %parallel_loop3A_44 to %parallel_loop3A_45 step %parallel_loop3A_46 iter_args(%parallel_loop3A_129 = %parallel_loop3A_33#0, %parallel_loop3A_130 = %parallel_loop3A_33#1) -> (i32, vector<16xi32>)  : i32 {
      %parallel_loop3A_131 = arith.constant 16 : i32
      %parallel_loop3A_132 = arith.muli %parallel_loop3A_128, %parallel_loop3A_131 : i32
      %parallel_loop3A_133 = arith.index_cast %parallel_loop3A_132 : i32 to index
      %parallel_loop3A_134 = tpu.vector_load %arg4[%parallel_loop3A_133] {strides = array<i32>} : memref<8192xf32, #tpu.memory_space<vmem>>, vector<16xf32>,
      %parallel_loop3A_135 = vector.bitcast %parallel_loop3A_134 : vector<16xf32> to vector<16xi32>
      %parallel_loop3A_136 = arith.constant 2147483647 : i32
      %parallel_loop3A_137 = vector.broadcast %parallel_loop3A_136 : i32 to vector<16xi32>
      %parallel_loop3A_138 = arith.andi %parallel_loop3A_135, %parallel_loop3A_137 : vector<16xi32>
      %parallel_loop3A_139 = arith.constant 1075629261 : i32
      %parallel_loop3A_140 = vector.broadcast %parallel_loop3A_139 : i32 to vector<16xi32>
      %parallel_loop3A_141 = arith.cmpi sge, %parallel_loop3A_138, %parallel_loop3A_140 : vector<16xi32>
      %parallel_loop3A_142 = arith.constant 1072902963 : i32
      %parallel_loop3A_143 = vector.broadcast %parallel_loop3A_142 : i32 to vector<16xi32>
      %parallel_loop3A_144 = arith.cmpi sge, %parallel_loop3A_138, %parallel_loop3A_143 : vector<16xi32>
      %parallel_loop3A_145 = arith.constant dense<true> : vector<16xi1>
      %parallel_loop3A_146 = arith.xori %parallel_loop3A_141, %parallel_loop3A_145 : vector<16xi1>
      %parallel_loop3A_147 = arith.andi %parallel_loop3A_144, %parallel_loop3A_146 : vector<16xi1>
      %parallel_loop3A_148 = arith.extui %parallel_loop3A_147 : vector<16xi1> to vector<16xi32>
      %parallel_loop3A_149 = arith.constant true
      %parallel_loop3A_150 = vector.broadcast %parallel_loop3A_149 : i1 to vector<16xi1>
      %parallel_loop3A_151 = tpu.scan <sum>, %parallel_loop3A_148 masked %parallel_loop3A_150 : vector<16xi32>, vector<16xi1> -> vector<16xi32>
      %parallel_loop3A_152 = vector.extract %parallel_loop3A_151[15] : i32 from vector<16xi32>
      %parallel_loop3A_153 = arith.index_cast %parallel_loop3A_129 : i32 to index
      %parallel_loop3A_154 = tpu.vector_load %arg5[%parallel_loop3A_153] masked %parallel_loop3A_147 {strides = array<i32>} : memref<16448xi32, #tpu.memory_space<vmem>>, vector<16xi32>, vector<16xi1>
      tpu.vector_store %arg5[%parallel_loop3A_153], %parallel_loop3A_138 masked %parallel_loop3A_147 {strides = array<i32>} : memref<16448xi32, #tpu.memory_space<vmem>>, vector<16xi32>, vector<16xi1>
      %parallel_loop3A_155 = arith.addi %parallel_loop3A_129, %parallel_loop3A_152 : i32
      %parallel_loop3A_156 = arith.extui %parallel_loop3A_141 : vector<16xi1> to vector<16xi32>
      %parallel_loop3A_157 = arith.addi %parallel_loop3A_130, %parallel_loop3A_156 : vector<16xi32>
      scf.yield %parallel_loop3A_155, %parallel_loop3A_157 : i32, vector<16xi32>
    } {sc.loop_unroll_factor = 8 : i64, sc.parallel_access}
    %reduce_sum3A = arith.constant true
    %reduce_sum3A_48 = vector.broadcast %reduce_sum3A : i1 to vector<16xi1>
    %reduce_sum3A_49 = tpu.scan <sum>, %parallel_loop3A_47#1 masked %reduce_sum3A_48 : vector<16xi32>, vector<16xi1> -> vector<16xi32>
    %reduce_sum3A_50 = vector.extract %reduce_sum3A_49[15] : i32 from vector<16xi32>
    %lt3A = arith.constant 256 : i32
    %lt3A_51 = arith.cmpi slt, %reduce_sum3A_50, %lt3A : i32
    %add3A_52 = arith.addi %reduce_sum3A_50, %parallel_loop3A_47#0 : i32
    %ge3A = arith.constant 256 : i32
    %ge3A_53 = arith.cmpi sge, %add3A_52, %ge3A : i32
    %and3A = arith.andi %lt3A_51, %ge3A_53 : i1
    %ge3A_54 = arith.constant 256 : i32
    %ge3A_55 = arith.cmpi sge, %reduce_sum3A_50, %ge3A_54 : i32
    %jit3A = arith.constant 1075629261 : i32
    %jit3A_56 = arith.constant 0 : i32
    %select_n3A = arith.select %ge3A_55, %jit3A, %jit3A_56 : i32
    %ge3A_57 = arith.constant 256 : i32
    %ge3A_58 = arith.cmpi sge, %reduce_sum3A_50, %ge3A_57 : i32
    %jit3A_59 = arith.constant 2139095041 : i32
    %jit3A_60 = arith.constant 1072902963 : i32
    %select_n3A_61 = arith.select %ge3A_58, %jit3A_59, %jit3A_60 : i32
    %convert_element_type3A = arith.extui %and3A : i1 to i32
    %cond3A = arith.constant 0 : i32
    %cond3A_62 = arith.constant 0 : i32
    %cond3A_63 = arith.cmpi ne, %convert_element_type3A, %cond3A_62 : i32
    %cond3A_64 = scf.if %cond3A_63 -> (i32) {
      %cond3A_128 = arith.constant 0 : i32
      scf.yield %cond3A_128 : i32
    } else {
      %scan3A = arith.constant 0 : i32
      %scan3A_128 = arith.constant 0 : i32
      %scan3A_129 = arith.constant 512 : i32
      %scan3A_130 = arith.addi %scan3A_128, %scan3A_129 : i32
      %scan3A_131 = arith.constant 1 : i32
      %scan3A_132 = scf.for %scan3A_134 = %scan3A_128 to %scan3A_130 step %scan3A_131 iter_args(%scan3A_135 = %scan3A) -> (i32)  : i32 {
        %mul3A_136 = arith.constant 16 : i32
        %mul3A_137 = arith.muli %scan3A_134, %mul3A_136 : i32
        %get3A = arith.index_cast %mul3A_137 : i32 to index
        %get3A_138 = tpu.vector_load %arg4[%get3A] {strides = array<i32>} : memref<8192xf32, #tpu.memory_space<vmem>>, vector<16xf32>,
        %bitcast3A = vector.bitcast %get3A_138 : vector<16xf32> to vector<16xi32>
        %and3A_139 = arith.constant 2147483647 : i32
        %and3A_140 = vector.broadcast %and3A_139 : i32 to vector<16xi32>
        %and3A_141 = arith.andi %bitcast3A, %and3A_140 : vector<16xi32>
        %ge3A_142 = vector.broadcast %select_n3A : i32 to vector<16xi32>
        %ge3A_143 = arith.cmpi sge, %and3A_141, %ge3A_142 : vector<16xi32>
        %lt3A_144 = vector.broadcast %select_n3A_61 : i32 to vector<16xi32>
        %lt3A_145 = arith.cmpi slt, %and3A_141, %lt3A_144 : vector<16xi32>
        %and3A_146 = arith.andi %ge3A_143, %lt3A_145 : vector<16xi1>
        %convert_element_type3A_147 = arith.extui %and3A_146 : vector<16xi1> to vector<16xi32>
        %reduce_sum3A_148 = arith.constant true
        %reduce_sum3A_149 = vector.broadcast %reduce_sum3A_148 : i1 to vector<16xi1>
        %reduce_sum3A_150 = tpu.scan <sum>, %convert_element_type3A_147 masked %reduce_sum3A_149 : vector<16xi32>, vector<16xi1> -> vector<16xi32>
        %reduce_sum3A_151 = vector.extract %reduce_sum3A_150[15] : i32 from vector<16xi32>
        %add3A_152 = arith.constant 8224 : i32
        %add3A_153 = arith.addi %add3A_152, %scan3A_135 : i32
        %swap3A = arith.index_cast %add3A_153 : i32 to index
        %swap3A_154 = tpu.vector_load %arg5[%swap3A] masked %and3A_146 {strides = array<i32>} : memref<16448xi32, #tpu.memory_space<vmem>>, vector<16xi32>, vector<16xi1>
        tpu.vector_store %arg5[%swap3A], %and3A_141 masked %and3A_146 {strides = array<i32>} : memref<16448xi32, #tpu.memory_space<vmem>>, vector<16xi32>, vector<16xi1>
        %add3A_155 = arith.addi %scan3A_135, %reduce_sum3A_151 : i32
        scf.yield %add3A_155 : i32
      }
      %scan3A_133 = arith.constant 512 : i32
      scf.yield %scan3A_132 : i32
    }
    %jit3A_65 = arith.constant 1072902963 : i32
    %select_n3A_66 = arith.select %and3A, %jit3A_65, %select_n3A : i32
    %jit3A_67 = arith.constant 1075629261 : i32
    %select_n3A_68 = arith.select %and3A, %jit3A_67, %select_n3A_61 : i32
    %ge3A_69 = arith.constant 256 : i32
    %ge3A_70 = arith.cmpi sge, %reduce_sum3A_50, %ge3A_69 : i32
    %sub3A = arith.constant 256 : i32
    %sub3A_71 = arith.subi %sub3A, %reduce_sum3A_50 : i32
    %sub3A_72 = arith.constant 256 : i32
    %sub3A_73 = arith.subi %sub3A_72, %reduce_sum3A_50 : i32
    %sub3A_74 = arith.subi %sub3A_73, %parallel_loop3A_47#0 : i32
    %select_n3A_75 = arith.select %and3A, %sub3A_71, %sub3A_74 : i32
    %jit3A_76 = arith.constant 256 : i32
    %select_n3A_77 = arith.select %ge3A_70, %jit3A_76, %select_n3A_75 : i32
    %jit3A_78 = arith.constant 0 : i32
    %jit3A_79 = arith.constant 8224 : i32
    %select_n3A_80 = arith.select %and3A, %jit3A_78, %jit3A_79 : i32
    %select_n3A_81 = arith.select %and3A, %parallel_loop3A_47#0, %cond3A_64 : i32
    %while3A:5 = scf.while (%while3A_128 = %select_n3A_66, %while3A_129 = %select_n3A_68, %while3A_130 = %select_n3A_77, %while3A_131 = %select_n3A_80, %while3A_132 = %select_n3A_81) : (i32, i32, i32, i32, i32) -> (i32, i32, i32, i32, i32) {
      %sub3A_133 = arith.subi %while3A_129, %while3A_128 : i32
      %gt3A = arith.constant 1 : i32
      %gt3A_134 = arith.cmpi sgt, %sub3A_133, %gt3A : i32
      scf.condition(%gt3A_134) %while3A_128, %while3A_129, %while3A_130, %while3A_131, %while3A_132 : i32, i32, i32, i32, i32
    } do {
    ^bb0(%while3A_128: i32, %while3A_129: i32, %while3A_130: i32, %while3A_131: i32, %while3A_132: i32):
      %sub3A_133 = arith.subi %while3A_129, %while3A_128 : i32
      %le3A = arith.constant 1 : i32
      %le3A_134 = arith.cmpi sle, %sub3A_133, %le3A : i32
      %not3A = arith.constant true
      %not3A_135 = arith.xori %le3A_134, %not3A : i1
      %le3A_136 = arith.constant 16 : i32
      %le3A_137 = arith.cmpi sle, %while3A_132, %le3A_136 : i32
      %and3A_138 = arith.andi %not3A_135, %le3A_137 : i1
      %not3A_139 = arith.constant true
      %not3A_140 = arith.xori %le3A_134, %not3A_139 : i1
      %not3A_141 = arith.constant true
      %not3A_142 = arith.xori %and3A_138, %not3A_141 : i1
      %and3A_143 = arith.andi %not3A_140, %not3A_142 : i1
      %sub3A_144 = arith.subi %while3A_129, %while3A_128 : i32
      %shift_right_arithmetic3A = arith.constant 1 : i32
      %shift_right_arithmetic3A_145 = arith.shrsi %sub3A_144, %shift_right_arithmetic3A : i32
      %add3A_146 = arith.addi %while3A_128, %shift_right_arithmetic3A_145 : i32
      %add3A_147 = arith.constant 16 : i32
      %add3A_148 = arith.addi %while3A_132, %add3A_147 : i32
      %sub3A_149 = arith.constant 1 : i32
      %sub3A_150 = arith.subi %add3A_148, %sub3A_149 : i32
      %jit3A_151 = arith.constant 16 : i32
      %div3A = arith.divsi %sub3A_150, %jit3A_151 : i32
      %sign3A = arith.constant 0 : i32
      %sign3A_152 = arith.cmpi sgt, %sub3A_150, %sign3A : i32
      %sign3A_153 = arith.extui %sign3A_152 : i1 to i32
      %sign3A_154 = arith.constant 0 : i32
      %sign3A_155 = arith.cmpi slt, %sub3A_150, %sign3A_154 : i32
      %sign3A_156 = arith.extui %sign3A_155 : i1 to i32
      %sign3A_157 = arith.subi %sign3A_153, %sign3A_156 : i32
      %sign3A_158 = arith.constant 0 : i32
      %sign3A_159 = arith.cmpi sgt, %jit3A_151, %sign3A_158 : i32
      %sign3A_160 = arith.extui %sign3A_159 : i1 to i32
      %sign3A_161 = arith.constant 0 : i32
      %sign3A_162 = arith.cmpi slt, %jit3A_151, %sign3A_161 : i32
      %sign3A_163 = arith.extui %sign3A_162 : i1 to i32
      %sign3A_164 = arith.subi %sign3A_160, %sign3A_163 : i32
      %ne3A = arith.cmpi ne, %sign3A_157, %sign3A_164 : i32
      %rem3A = arith.remsi %sub3A_150, %jit3A_151 : i32
      %ne3A_165 = arith.constant 0 : i32
      %ne3A_166 = arith.cmpi ne, %rem3A, %ne3A_165 : i32
      %and3A_167 = arith.andi %ne3A, %ne3A_166 : i1
      %sub3A_168 = arith.constant 1 : i32
      %sub3A_169 = arith.subi %div3A, %sub3A_168 : i32
      %select_n3A_170 = arith.select %and3A_167, %sub3A_169, %div3A : i32
      %jit3A_171 = arith.constant 0 : i32
      %select_n3A_172 = arith.select %and3A_143, %select_n3A_170, %jit3A_171 : i32
      %while3A_173 = arith.constant 0 : i32
      %while3A_174 = arith.constant 0 : i32
      %while3A_175 = arith.constant 0 : i32
      %while3A_176 = arith.subi %select_n3A_172, %while3A_173 : i32
      %while3A_177 = arith.addi %while3A_173, %while3A_176 : i32
      %while3A_178 = arith.constant 1 : i32
      %while3A_179 = arith.divsi %while3A_176, %while3A_178 : i32
      %while3A_180 = arith.muli %while3A_179, %while3A_178 : i32
      %while3A_181 = arith.addi %while3A_173, %while3A_180 : i32
      %while3A_182 = arith.constant 1 : i32
      %while3A_183:2 = scf.for %while3A_324 = %while3A_173 to %while3A_181 step %while3A_182 iter_args(%while3A_325 = %while3A_174, %while3A_326 = %while3A_175) -> (i32, i32)  : i32 {
        %mul3A_327 = arith.constant 16 : i32
        %mul3A_328 = arith.muli %while3A_324, %mul3A_327 : i32
        %add3A_329 = arith.addi %while3A_131, %mul3A_328 : i32
        %get3A_330 = arith.index_cast %add3A_329 : i32 to index
        %get3A_331 = tpu.vector_load %arg5[%get3A_330] {strides = array<i32>} : memref<16448xi32, #tpu.memory_space<vmem>>, vector<16xi32>,
        %sub3A_332 = arith.subi %while3A_132, %mul3A_328 : i32
        %lt3A_333 = vector.broadcast %sub3A_332 : i32 to vector<16xi32>
        %lt3A_334 = arith.cmpi slt, %iota3A, %lt3A_333 : vector<16xi32>
        %ge3A_335 = vector.broadcast %add3A_146 : i32 to vector<16xi32>
        %ge3A_336 = arith.cmpi sge, %get3A_331, %ge3A_335 : vector<16xi32>
        %and3A_337 = arith.andi %lt3A_334, %ge3A_336 : vector<16xi1>
        %lt3A_338 = vector.broadcast %add3A_146 : i32 to vector<16xi32>
        %lt3A_339 = arith.cmpi slt, %get3A_331, %lt3A_338 : vector<16xi32>
        %and3A_340 = arith.andi %lt3A_334, %lt3A_339 : vector<16xi1>
        %convert_element_type3A_341 = arith.extui %and3A_337 : vector<16xi1> to vector<16xi32>
        %reduce_sum3A_342 = arith.constant true
        %reduce_sum3A_343 = vector.broadcast %reduce_sum3A_342 : i1 to vector<16xi1>
        %reduce_sum3A_344 = tpu.scan <sum>, %convert_element_type3A_341 masked %reduce_sum3A_343 : vector<16xi32>, vector<16xi1> -> vector<16xi32>
        %reduce_sum3A_345 = vector.extract %reduce_sum3A_344[15] : i32 from vector<16xi32>
        %convert_element_type3A_346 = arith.extui %and3A_340 : vector<16xi1> to vector<16xi32>
        %reduce_sum3A_347 = arith.constant true
        %reduce_sum3A_348 = vector.broadcast %reduce_sum3A_347 : i1 to vector<16xi1>
        %reduce_sum3A_349 = tpu.scan <sum>, %convert_element_type3A_346 masked %reduce_sum3A_348 : vector<16xi32>, vector<16xi1> -> vector<16xi32>
        %reduce_sum3A_350 = vector.extract %reduce_sum3A_349[15] : i32 from vector<16xi32>
        %add3A_351 = arith.constant 0 : i32
        %add3A_352 = arith.addi %add3A_351, %while3A_325 : i32
        %swap3A = arith.index_cast %add3A_352 : i32 to index
        %swap3A_353 = tpu.vector_load %arg6[%swap3A] masked %and3A_337 {strides = array<i32>} : memref<16448xi32, #tpu.memory_space<vmem>>, vector<16xi32>, vector<16xi1>
        tpu.vector_store %arg6[%swap3A], %get3A_331 masked %and3A_337 {strides = array<i32>} : memref<16448xi32, #tpu.memory_space<vmem>>, vector<16xi32>, vector<16xi1>
        %add3A_354 = arith.constant 8224 : i32
        %add3A_355 = arith.addi %add3A_354, %while3A_326 : i32
        %swap3A_356 = arith.index_cast %add3A_355 : i32 to index
        %swap3A_357 = tpu.vector_load %arg6[%swap3A_356] masked %and3A_340 {strides = array<i32>} : memref<16448xi32, #tpu.memory_space<vmem>>, vector<16xi32>, vector<16xi1>
        tpu.vector_store %arg6[%swap3A_356], %get3A_331 masked %and3A_340 {strides = array<i32>} : memref<16448xi32, #tpu.memory_space<vmem>>, vector<16xi32>, vector<16xi1>
        %add3A_358 = arith.addi %while3A_325, %reduce_sum3A_345 : i32
        %add3A_359 = arith.addi %while3A_326, %reduce_sum3A_350 : i32
        scf.yield %add3A_358, %add3A_359 : i32, i32
      }
      %while3A_184 = arith.constant 1 : i32
      %while3A_185:2 = scf.for %while3A_324 = %while3A_181 to %while3A_177 step %while3A_184 iter_args(%while3A_325 = %while3A_183#0, %while3A_326 = %while3A_183#1) -> (i32, i32)  : i32 {
        %mul3A_327 = arith.constant 16 : i32
        %mul3A_328 = arith.muli %while3A_324, %mul3A_327 : i32
        %add3A_329 = arith.addi %while3A_131, %mul3A_328 : i32
        %get3A_330 = arith.index_cast %add3A_329 : i32 to index
        %get3A_331 = tpu.vector_load %arg5[%get3A_330] {strides = array<i32>} : memref<16448xi32, #tpu.memory_space<vmem>>, vector<16xi32>,
        %sub3A_332 = arith.subi %while3A_132, %mul3A_328 : i32
        %lt3A_333 = vector.broadcast %sub3A_332 : i32 to vector<16xi32>
        %lt3A_334 = arith.cmpi slt, %iota3A, %lt3A_333 : vector<16xi32>
        %ge3A_335 = vector.broadcast %add3A_146 : i32 to vector<16xi32>
        %ge3A_336 = arith.cmpi sge, %get3A_331, %ge3A_335 : vector<16xi32>
        %and3A_337 = arith.andi %lt3A_334, %ge3A_336 : vector<16xi1>
        %lt3A_338 = vector.broadcast %add3A_146 : i32 to vector<16xi32>
        %lt3A_339 = arith.cmpi slt, %get3A_331, %lt3A_338 : vector<16xi32>
        %and3A_340 = arith.andi %lt3A_334, %lt3A_339 : vector<16xi1>
        %convert_element_type3A_341 = arith.extui %and3A_337 : vector<16xi1> to vector<16xi32>
        %reduce_sum3A_342 = arith.constant true
        %reduce_sum3A_343 = vector.broadcast %reduce_sum3A_342 : i1 to vector<16xi1>
        %reduce_sum3A_344 = tpu.scan <sum>, %convert_element_type3A_341 masked %reduce_sum3A_343 : vector<16xi32>, vector<16xi1> -> vector<16xi32>
        %reduce_sum3A_345 = vector.extract %reduce_sum3A_344[15] : i32 from vector<16xi32>
        %convert_element_type3A_346 = arith.extui %and3A_340 : vector<16xi1> to vector<16xi32>
        %reduce_sum3A_347 = arith.constant true
        %reduce_sum3A_348 = vector.broadcast %reduce_sum3A_347 : i1 to vector<16xi1>
        %reduce_sum3A_349 = tpu.scan <sum>, %convert_element_type3A_346 masked %reduce_sum3A_348 : vector<16xi32>, vector<16xi1> -> vector<16xi32>
        %reduce_sum3A_350 = vector.extract %reduce_sum3A_349[15] : i32 from vector<16xi32>
        %add3A_351 = arith.constant 0 : i32
        %add3A_352 = arith.addi %add3A_351, %while3A_325 : i32
        %swap3A = arith.index_cast %add3A_352 : i32 to index
        %swap3A_353 = tpu.vector_load %arg6[%swap3A] masked %and3A_337 {strides = array<i32>} : memref<16448xi32, #tpu.memory_space<vmem>>, vector<16xi32>, vector<16xi1>
        tpu.vector_store %arg6[%swap3A], %get3A_331 masked %and3A_337 {strides = array<i32>} : memref<16448xi32, #tpu.memory_space<vmem>>, vector<16xi32>, vector<16xi1>
        %add3A_354 = arith.constant 8224 : i32
        %add3A_355 = arith.addi %add3A_354, %while3A_326 : i32
        %swap3A_356 = arith.index_cast %add3A_355 : i32 to index
        %swap3A_357 = tpu.vector_load %arg6[%swap3A_356] masked %and3A_340 {strides = array<i32>} : memref<16448xi32, #tpu.memory_space<vmem>>, vector<16xi32>, vector<16xi1>
        tpu.vector_store %arg6[%swap3A_356], %get3A_331 masked %and3A_340 {strides = array<i32>} : memref<16448xi32, #tpu.memory_space<vmem>>, vector<16xi32>, vector<16xi1>
        %add3A_358 = arith.addi %while3A_325, %reduce_sum3A_345 : i32
        %add3A_359 = arith.addi %while3A_326, %reduce_sum3A_350 : i32
        scf.yield %add3A_358, %add3A_359 : i32, i32
      }
      %get3A = arith.index_cast %while3A_131 : i32 to index
      %get3A_186 = tpu.vector_load %arg5[%get3A] {strides = array<i32>} : memref<16448xi32, #tpu.memory_space<vmem>>, vector<16xi32>,
      %lt3A_187 = vector.broadcast %while3A_132 : i32 to vector<16xi32>
      %lt3A_188 = arith.cmpi slt, %iota3A, %lt3A_187 : vector<16xi32>
      %masked_sort3A = arith.constant -2147483648 : i32
      %masked_sort3A_189 = vector.broadcast %masked_sort3A : i32 to vector<16xi32>
      %masked_sort3A_190 = arith.xori %get3A_186, %masked_sort3A_189 : vector<16xi32>
      %masked_sort3A_191, %masked_sort3A_192, %masked_sort3A_193 = tpu.sort %masked_sort3A_190, %get3A_186 masked %lt3A_188 {descending = true} : (vector<16xi32>, vector<16xi32>, vector<16xi1>) -> (vector<16xi1>, vector<16xi32>, vector<16xi32>)
      %masked_sort3A_194 = arith.xori %masked_sort3A_192, %masked_sort3A_189 : vector<16xi32>
      %sub3A_195 = arith.constant 1 : i32
      %sub3A_196 = arith.subi %while3A_130, %sub3A_195 : i32
      %eq3A = vector.broadcast %sub3A_196 : i32 to vector<16xi32>
      %eq3A_197 = arith.cmpi eq, %iota3A, %eq3A : vector<16xi32>
      %jit3A_198 = arith.constant 0 : i32
      %broadcast_in_dim3A_199 = vector.broadcast %jit3A_198 : i32 to vector<16xi32>
      %select_n3A_200 = arith.select %eq3A_197, %masked_sort3A_194, %broadcast_in_dim3A_199 : vector<16xi1>, vector<16xi32>
      %reduce_sum3A_201 = arith.constant true
      %reduce_sum3A_202 = vector.broadcast %reduce_sum3A_201 : i1 to vector<16xi1>
      %reduce_sum3A_203 = tpu.scan <sum>, %select_n3A_200 masked %reduce_sum3A_202 : vector<16xi32>, vector<16xi1> -> vector<16xi32>
      %reduce_sum3A_204 = vector.extract %reduce_sum3A_203[15] : i32 from vector<16xi32>
      %ge3A_205 = arith.cmpi sge, %while3A_185#0, %while3A_130 : i32
      %select_n3A_206 = arith.select %ge3A_205, %add3A_146, %while3A_128 : i32
      %select_n3A_207 = arith.select %and3A_138, %reduce_sum3A_204, %select_n3A_206 : i32
      %select_n3A_208 = arith.select %le3A_134, %while3A_128, %select_n3A_207 : i32
      %add3A_209 = arith.constant 1 : i32
      %add3A_210 = arith.addi %reduce_sum3A_204, %add3A_209 : i32
      %select_n3A_211 = arith.select %ge3A_205, %while3A_129, %add3A_146 : i32
      %select_n3A_212 = arith.select %and3A_138, %add3A_210, %select_n3A_211 : i32
      %select_n3A_213 = arith.select %le3A_134, %while3A_129, %select_n3A_212 : i32
      %or3A = arith.ori %le3A_134, %and3A_138 : i1
      %or3A_214 = arith.ori %or3A, %ge3A_205 : i1
      %sub3A_215 = arith.subi %while3A_130, %while3A_185#0 : i32
      %select_n3A_216 = arith.select %or3A_214, %while3A_130, %sub3A_215 : i32
      %jit3A_217 = arith.constant 0 : i32
      %jit3A_218 = arith.constant 8224 : i32
      %select_n3A_219 = arith.select %ge3A_205, %jit3A_217, %jit3A_218 : i32
      %select_n3A_220 = arith.select %or3A, %while3A_131, %select_n3A_219 : i32
      %select_n3A_221 = arith.select %ge3A_205, %while3A_185#0, %while3A_185#1 : i32
      %select_n3A_222 = arith.select %or3A, %while3A_132, %select_n3A_221 : i32
      %sub3A_223 = arith.subi %select_n3A_213, %select_n3A_208 : i32
      %le3A_224 = arith.constant 1 : i32
      %le3A_225 = arith.cmpi sle, %sub3A_223, %le3A_224 : i32
      %not3A_226 = arith.constant true
      %not3A_227 = arith.xori %le3A_225, %not3A_226 : i1
      %le3A_228 = arith.constant 16 : i32
      %le3A_229 = arith.cmpi sle, %select_n3A_222, %le3A_228 : i32
      %and3A_230 = arith.andi %not3A_227, %le3A_229 : i1
      %not3A_231 = arith.constant true
      %not3A_232 = arith.xori %le3A_225, %not3A_231 : i1
      %not3A_233 = arith.constant true
      %not3A_234 = arith.xori %and3A_230, %not3A_233 : i1
      %and3A_235 = arith.andi %not3A_232, %not3A_234 : i1
      %sub3A_236 = arith.subi %select_n3A_213, %select_n3A_208 : i32
      %shift_right_arithmetic3A_237 = arith.constant 1 : i32
      %shift_right_arithmetic3A_238 = arith.shrsi %sub3A_236, %shift_right_arithmetic3A_237 : i32
      %add3A_239 = arith.addi %select_n3A_208, %shift_right_arithmetic3A_238 : i32
      %add3A_240 = arith.constant 16 : i32
      %add3A_241 = arith.addi %select_n3A_222, %add3A_240 : i32
      %sub3A_242 = arith.constant 1 : i32
      %sub3A_243 = arith.subi %add3A_241, %sub3A_242 : i32
      %jit3A_244 = arith.constant 16 : i32
      %div3A_245 = arith.divsi %sub3A_243, %jit3A_244 : i32
      %sign3A_246 = arith.constant 0 : i32
      %sign3A_247 = arith.cmpi sgt, %sub3A_243, %sign3A_246 : i32
      %sign3A_248 = arith.extui %sign3A_247 : i1 to i32
      %sign3A_249 = arith.constant 0 : i32
      %sign3A_250 = arith.cmpi slt, %sub3A_243, %sign3A_249 : i32
      %sign3A_251 = arith.extui %sign3A_250 : i1 to i32
      %sign3A_252 = arith.subi %sign3A_248, %sign3A_251 : i32
      %sign3A_253 = arith.constant 0 : i32
      %sign3A_254 = arith.cmpi sgt, %jit3A_244, %sign3A_253 : i32
      %sign3A_255 = arith.extui %sign3A_254 : i1 to i32
      %sign3A_256 = arith.constant 0 : i32
      %sign3A_257 = arith.cmpi slt, %jit3A_244, %sign3A_256 : i32
      %sign3A_258 = arith.extui %sign3A_257 : i1 to i32
      %sign3A_259 = arith.subi %sign3A_255, %sign3A_258 : i32
      %ne3A_260 = arith.cmpi ne, %sign3A_252, %sign3A_259 : i32
      %rem3A_261 = arith.remsi %sub3A_243, %jit3A_244 : i32
      %ne3A_262 = arith.constant 0 : i32
      %ne3A_263 = arith.cmpi ne, %rem3A_261, %ne3A_262 : i32
      %and3A_264 = arith.andi %ne3A_260, %ne3A_263 : i1
      %sub3A_265 = arith.constant 1 : i32
      %sub3A_266 = arith.subi %div3A_245, %sub3A_265 : i32
      %select_n3A_267 = arith.select %and3A_264, %sub3A_266, %div3A_245 : i32
      %jit3A_268 = arith.constant 0 : i32
      %select_n3A_269 = arith.select %and3A_235, %select_n3A_267, %jit3A_268 : i32
      %while3A_270 = arith.constant 0 : i32
      %while3A_271 = arith.constant 0 : i32
      %while3A_272 = arith.constant 0 : i32
      %while3A_273 = arith.subi %select_n3A_269, %while3A_270 : i32
      %while3A_274 = arith.addi %while3A_270, %while3A_273 : i32
      %while3A_275 = arith.constant 1 : i32
      %while3A_276 = arith.divsi %while3A_273, %while3A_275 : i32
      %while3A_277 = arith.muli %while3A_276, %while3A_275 : i32
      %while3A_278 = arith.addi %while3A_270, %while3A_277 : i32
      %while3A_279 = arith.constant 1 : i32
      %while3A_280:2 = scf.for %while3A_324 = %while3A_270 to %while3A_278 step %while3A_279 iter_args(%while3A_325 = %while3A_271, %while3A_326 = %while3A_272) -> (i32, i32)  : i32 {
        %mul3A_327 = arith.constant 16 : i32
        %mul3A_328 = arith.muli %while3A_324, %mul3A_327 : i32
        %add3A_329 = arith.addi %select_n3A_220, %mul3A_328 : i32
        %get3A_330 = arith.index_cast %add3A_329 : i32 to index
        %get3A_331 = tpu.vector_load %arg6[%get3A_330] {strides = array<i32>} : memref<16448xi32, #tpu.memory_space<vmem>>, vector<16xi32>,
        %sub3A_332 = arith.subi %select_n3A_222, %mul3A_328 : i32
        %lt3A_333 = vector.broadcast %sub3A_332 : i32 to vector<16xi32>
        %lt3A_334 = arith.cmpi slt, %iota3A, %lt3A_333 : vector<16xi32>
        %ge3A_335 = vector.broadcast %add3A_239 : i32 to vector<16xi32>
        %ge3A_336 = arith.cmpi sge, %get3A_331, %ge3A_335 : vector<16xi32>
        %and3A_337 = arith.andi %lt3A_334, %ge3A_336 : vector<16xi1>
        %lt3A_338 = vector.broadcast %add3A_239 : i32 to vector<16xi32>
        %lt3A_339 = arith.cmpi slt, %get3A_331, %lt3A_338 : vector<16xi32>
        %and3A_340 = arith.andi %lt3A_334, %lt3A_339 : vector<16xi1>
        %convert_element_type3A_341 = arith.extui %and3A_337 : vector<16xi1> to vector<16xi32>
        %reduce_sum3A_342 = arith.constant true
        %reduce_sum3A_343 = vector.broadcast %reduce_sum3A_342 : i1 to vector<16xi1>
        %reduce_sum3A_344 = tpu.scan <sum>, %convert_element_type3A_341 masked %reduce_sum3A_343 : vector<16xi32>, vector<16xi1> -> vector<16xi32>
        %reduce_sum3A_345 = vector.extract %reduce_sum3A_344[15] : i32 from vector<16xi32>
        %convert_element_type3A_346 = arith.extui %and3A_340 : vector<16xi1> to vector<16xi32>
        %reduce_sum3A_347 = arith.constant true
        %reduce_sum3A_348 = vector.broadcast %reduce_sum3A_347 : i1 to vector<16xi1>
        %reduce_sum3A_349 = tpu.scan <sum>, %convert_element_type3A_346 masked %reduce_sum3A_348 : vector<16xi32>, vector<16xi1> -> vector<16xi32>
        %reduce_sum3A_350 = vector.extract %reduce_sum3A_349[15] : i32 from vector<16xi32>
        %add3A_351 = arith.constant 0 : i32
        %add3A_352 = arith.addi %add3A_351, %while3A_325 : i32
        %swap3A = arith.index_cast %add3A_352 : i32 to index
        %swap3A_353 = tpu.vector_load %arg5[%swap3A] masked %and3A_337 {strides = array<i32>} : memref<16448xi32, #tpu.memory_space<vmem>>, vector<16xi32>, vector<16xi1>
        tpu.vector_store %arg5[%swap3A], %get3A_331 masked %and3A_337 {strides = array<i32>} : memref<16448xi32, #tpu.memory_space<vmem>>, vector<16xi32>, vector<16xi1>
        %add3A_354 = arith.constant 8224 : i32
        %add3A_355 = arith.addi %add3A_354, %while3A_326 : i32
        %swap3A_356 = arith.index_cast %add3A_355 : i32 to index
        %swap3A_357 = tpu.vector_load %arg5[%swap3A_356] masked %and3A_340 {strides = array<i32>} : memref<16448xi32, #tpu.memory_space<vmem>>, vector<16xi32>, vector<16xi1>
        tpu.vector_store %arg5[%swap3A_356], %get3A_331 masked %and3A_340 {strides = array<i32>} : memref<16448xi32, #tpu.memory_space<vmem>>, vector<16xi32>, vector<16xi1>
        %add3A_358 = arith.addi %while3A_325, %reduce_sum3A_345 : i32
        %add3A_359 = arith.addi %while3A_326, %reduce_sum3A_350 : i32
        scf.yield %add3A_358, %add3A_359 : i32, i32
      }
      %while3A_281 = arith.constant 1 : i32
      %while3A_282:2 = scf.for %while3A_324 = %while3A_278 to %while3A_274 step %while3A_281 iter_args(%while3A_325 = %while3A_280#0, %while3A_326 = %while3A_280#1) -> (i32, i32)  : i32 {
        %mul3A_327 = arith.constant 16 : i32
        %mul3A_328 = arith.muli %while3A_324, %mul3A_327 : i32
        %add3A_329 = arith.addi %select_n3A_220, %mul3A_328 : i32
        %get3A_330 = arith.index_cast %add3A_329 : i32 to index
        %get3A_331 = tpu.vector_load %arg6[%get3A_330] {strides = array<i32>} : memref<16448xi32, #tpu.memory_space<vmem>>, vector<16xi32>,
        %sub3A_332 = arith.subi %select_n3A_222, %mul3A_328 : i32
        %lt3A_333 = vector.broadcast %sub3A_332 : i32 to vector<16xi32>
        %lt3A_334 = arith.cmpi slt, %iota3A, %lt3A_333 : vector<16xi32>
        %ge3A_335 = vector.broadcast %add3A_239 : i32 to vector<16xi32>
        %ge3A_336 = arith.cmpi sge, %get3A_331, %ge3A_335 : vector<16xi32>
        %and3A_337 = arith.andi %lt3A_334, %ge3A_336 : vector<16xi1>
        %lt3A_338 = vector.broadcast %add3A_239 : i32 to vector<16xi32>
        %lt3A_339 = arith.cmpi slt, %get3A_331, %lt3A_338 : vector<16xi32>
        %and3A_340 = arith.andi %lt3A_334, %lt3A_339 : vector<16xi1>
        %convert_element_type3A_341 = arith.extui %and3A_337 : vector<16xi1> to vector<16xi32>
        %reduce_sum3A_342 = arith.constant true
        %reduce_sum3A_343 = vector.broadcast %reduce_sum3A_342 : i1 to vector<16xi1>
        %reduce_sum3A_344 = tpu.scan <sum>, %convert_element_type3A_341 masked %reduce_sum3A_343 : vector<16xi32>, vector<16xi1> -> vector<16xi32>
        %reduce_sum3A_345 = vector.extract %reduce_sum3A_344[15] : i32 from vector<16xi32>
        %convert_element_type3A_346 = arith.extui %and3A_340 : vector<16xi1> to vector<16xi32>
        %reduce_sum3A_347 = arith.constant true
        %reduce_sum3A_348 = vector.broadcast %reduce_sum3A_347 : i1 to vector<16xi1>
        %reduce_sum3A_349 = tpu.scan <sum>, %convert_element_type3A_346 masked %reduce_sum3A_348 : vector<16xi32>, vector<16xi1> -> vector<16xi32>
        %reduce_sum3A_350 = vector.extract %reduce_sum3A_349[15] : i32 from vector<16xi32>
        %add3A_351 = arith.constant 0 : i32
        %add3A_352 = arith.addi %add3A_351, %while3A_325 : i32
        %swap3A = arith.index_cast %add3A_352 : i32 to index
        %swap3A_353 = tpu.vector_load %arg5[%swap3A] masked %and3A_337 {strides = array<i32>} : memref<16448xi32, #tpu.memory_space<vmem>>, vector<16xi32>, vector<16xi1>
        tpu.vector_store %arg5[%swap3A], %get3A_331 masked %and3A_337 {strides = array<i32>} : memref<16448xi32, #tpu.memory_space<vmem>>, vector<16xi32>, vector<16xi1>
        %add3A_354 = arith.constant 8224 : i32
        %add3A_355 = arith.addi %add3A_354, %while3A_326 : i32
        %swap3A_356 = arith.index_cast %add3A_355 : i32 to index
        %swap3A_357 = tpu.vector_load %arg5[%swap3A_356] masked %and3A_340 {strides = array<i32>} : memref<16448xi32, #tpu.memory_space<vmem>>, vector<16xi32>, vector<16xi1>
        tpu.vector_store %arg5[%swap3A_356], %get3A_331 masked %and3A_340 {strides = array<i32>} : memref<16448xi32, #tpu.memory_space<vmem>>, vector<16xi32>, vector<16xi1>
        %add3A_358 = arith.addi %while3A_325, %reduce_sum3A_345 : i32
        %add3A_359 = arith.addi %while3A_326, %reduce_sum3A_350 : i32
        scf.yield %add3A_358, %add3A_359 : i32, i32
      }
      %get3A_283 = arith.index_cast %select_n3A_220 : i32 to index
      %get3A_284 = tpu.vector_load %arg6[%get3A_283] {strides = array<i32>} : memref<16448xi32, #tpu.memory_space<vmem>>, vector<16xi32>,
      %lt3A_285 = vector.broadcast %select_n3A_222 : i32 to vector<16xi32>
      %lt3A_286 = arith.cmpi slt, %iota3A, %lt3A_285 : vector<16xi32>
      %masked_sort3A_287 = arith.constant -2147483648 : i32
      %masked_sort3A_288 = vector.broadcast %masked_sort3A_287 : i32 to vector<16xi32>
      %masked_sort3A_289 = arith.xori %get3A_284, %masked_sort3A_288 : vector<16xi32>
      %masked_sort3A_290, %masked_sort3A_291, %masked_sort3A_292 = tpu.sort %masked_sort3A_289, %get3A_284 masked %lt3A_286 {descending = true} : (vector<16xi32>, vector<16xi32>, vector<16xi1>) -> (vector<16xi1>, vector<16xi32>, vector<16xi32>)
      %masked_sort3A_293 = arith.xori %masked_sort3A_291, %masked_sort3A_288 : vector<16xi32>
      %sub3A_294 = arith.constant 1 : i32
      %sub3A_295 = arith.subi %select_n3A_216, %sub3A_294 : i32
      %eq3A_296 = vector.broadcast %sub3A_295 : i32 to vector<16xi32>
      %eq3A_297 = arith.cmpi eq, %iota3A, %eq3A_296 : vector<16xi32>
      %jit3A_298 = arith.constant 0 : i32
      %broadcast_in_dim3A_299 = vector.broadcast %jit3A_298 : i32 to vector<16xi32>
      %select_n3A_300 = arith.select %eq3A_297, %masked_sort3A_293, %broadcast_in_dim3A_299 : vector<16xi1>, vector<16xi32>
      %reduce_sum3A_301 = arith.constant true
      %reduce_sum3A_302 = vector.broadcast %reduce_sum3A_301 : i1 to vector<16xi1>
      %reduce_sum3A_303 = tpu.scan <sum>, %select_n3A_300 masked %reduce_sum3A_302 : vector<16xi32>, vector<16xi1> -> vector<16xi32>
      %reduce_sum3A_304 = vector.extract %reduce_sum3A_303[15] : i32 from vector<16xi32>
      %ge3A_305 = arith.cmpi sge, %while3A_282#0, %select_n3A_216 : i32
      %select_n3A_306 = arith.select %ge3A_305, %add3A_239, %select_n3A_208 : i32
      %select_n3A_307 = arith.select %and3A_230, %reduce_sum3A_304, %select_n3A_306 : i32
      %select_n3A_308 = arith.select %le3A_225, %select_n3A_208, %select_n3A_307 : i32
      %add3A_309 = arith.constant 1 : i32
      %add3A_310 = arith.addi %reduce_sum3A_304, %add3A_309 : i32
      %select_n3A_311 = arith.select %ge3A_305, %select_n3A_213, %add3A_239 : i32
      %select_n3A_312 = arith.select %and3A_230, %add3A_310, %select_n3A_311 : i32
      %select_n3A_313 = arith.select %le3A_225, %select_n3A_213, %select_n3A_312 : i32
      %or3A_314 = arith.ori %le3A_225, %and3A_230 : i1
      %or3A_315 = arith.ori %or3A_314, %ge3A_305 : i1
      %sub3A_316 = arith.subi %select_n3A_216, %while3A_282#0 : i32
      %select_n3A_317 = arith.select %or3A_315, %select_n3A_216, %sub3A_316 : i32
      %jit3A_318 = arith.constant 0 : i32
      %jit3A_319 = arith.constant 8224 : i32
      %select_n3A_320 = arith.select %ge3A_305, %jit3A_318, %jit3A_319 : i32
      %select_n3A_321 = arith.select %or3A_314, %select_n3A_220, %select_n3A_320 : i32
      %select_n3A_322 = arith.select %ge3A_305, %while3A_282#0, %while3A_282#1 : i32
      %select_n3A_323 = arith.select %or3A_314, %select_n3A_222, %select_n3A_322 : i32
      scf.yield %select_n3A_308, %select_n3A_313, %select_n3A_317, %select_n3A_321, %select_n3A_323 : i32, i32, i32, i32, i32
    }
    %parallel_loop3A_82 = arith.constant 0 : i32
    %parallel_loop3A_83 = arith.constant 256 : i32
    %parallel_loop3A_84 = arith.constant 1 : i32
    scf.for %parallel_loop3A_128 = %parallel_loop3A_82 to %parallel_loop3A_83 step %parallel_loop3A_84  : i32 {
      %parallel_loop3A_129 = arith.constant 16 : i32
      %parallel_loop3A_130 = arith.muli %parallel_loop3A_128, %parallel_loop3A_129 : i32
      %parallel_loop3A_131 = arith.index_cast %parallel_loop3A_130 : i32 to index
      %parallel_loop3A_132 = tpu.vector_load %arg4[%parallel_loop3A_131] {strides = array<i32>} : memref<8192xf32, #tpu.memory_space<vmem>>, vector<16xf32>,
      %parallel_loop3A_133 = vector.bitcast %parallel_loop3A_132 : vector<16xf32> to vector<16xi32>
      %parallel_loop3A_134 = arith.constant 2147483647 : i32
      %parallel_loop3A_135 = vector.broadcast %parallel_loop3A_134 : i32 to vector<16xi32>
      %parallel_loop3A_136 = arith.andi %parallel_loop3A_133, %parallel_loop3A_135 : vector<16xi32>
      %parallel_loop3A_137 = vector.broadcast %while3A#0 : i32 to vector<16xi32>
      %parallel_loop3A_138 = arith.cmpi sge, %parallel_loop3A_136, %parallel_loop3A_137 : vector<16xi32>
      %parallel_loop3A_139 = arith.constant 0.000000e+00 : f32
      %parallel_loop3A_140 = vector.broadcast %parallel_loop3A_139 : f32 to vector<16xf32>
      %parallel_loop3A_141 = arith.select %parallel_loop3A_138, %parallel_loop3A_132, %parallel_loop3A_140 : vector<16xi1>, vector<16xf32>
      %parallel_loop3A_142 = arith.constant 16 : i32
      %parallel_loop3A_143 = arith.muli %parallel_loop3A_128, %parallel_loop3A_142 : i32
      %parallel_loop3A_144 = arith.index_cast %parallel_loop3A_143 : i32 to index
      %parallel_loop3A_145 = tpu.vector_load %arg4[%parallel_loop3A_144] {strides = array<i32>} : memref<8192xf32, #tpu.memory_space<vmem>>, vector<16xf32>,
      tpu.vector_store %arg4[%parallel_loop3A_144], %parallel_loop3A_141 {strides = array<i32>} : memref<8192xf32, #tpu.memory_space<vmem>>, vector<16xf32>,
    } {sc.loop_unroll_factor = 8 : i64, sc.parallel_access}
    %dma_start3A_85 = arith.constant 0 : i32
    %dma_start3A_86 = tpu.memref_slice %arg4[%dma_start3A_85] : memref<8192xf32, #tpu.memory_space<vmem>> -> memref<4096xf32, #tpu.memory_space<vmem>>
    %dma_start3A_87 = arith.constant 0 : i32
    %dma_start3A_88 = tpu.memref_slice %arg3[%add3A, %dma_start3A_87] : memref<32x8192xf32, #tpu.memory_space<hbm>> -> memref<1x4096xf32, #tpu.memory_space<hbm>>
    %dma_start3A_89 = tpu.memref_squeeze %dma_start3A_88 : memref<1x4096xf32, #tpu.memory_space<hbm>> -> memref<4096xf32, #tpu.memory_space<hbm>>
    %dma_start3A_90 = arith.constant 0 : i32
    %dma_start3A_91 = tpu.memref_slice %arg3[%add3A, %dma_start3A_90] : memref<32x8192xf32, #tpu.memory_space<hbm>> -> memref<1x4096xf32, #tpu.memory_space<hbm>>
    %dma_start3A_92 = tpu.memref_squeeze %dma_start3A_91 : memref<1x4096xf32, #tpu.memory_space<hbm>> -> memref<4096xf32, #tpu.memory_space<hbm>>
    %dma_start3A_93 = arith.constant 0 : i32
    %dma_start3A_94 = tpu.memref_slice %arg4[%dma_start3A_93] : memref<8192xf32, #tpu.memory_space<vmem>> -> memref<4096xf32, #tpu.memory_space<vmem>>
    tpu.enqueue_dma source(%dma_start3A_94 : memref<4096xf32, #tpu.memory_space<vmem>>) target(%dma_start3A_92 : memref<4096xf32, #tpu.memory_space<hbm>>) target_semaphore(%arg11 : memref<!tpu.dma_semaphore, #tpu.memory_space<semaphore_mem>>)
    %parallel_loop3A_95 = arith.constant 256 : i32
    %parallel_loop3A_96 = arith.constant 512 : i32
    %parallel_loop3A_97 = arith.constant 1 : i32
    scf.for %parallel_loop3A_128 = %parallel_loop3A_95 to %parallel_loop3A_96 step %parallel_loop3A_97  : i32 {
      %parallel_loop3A_129 = arith.constant 16 : i32
      %parallel_loop3A_130 = arith.muli %parallel_loop3A_128, %parallel_loop3A_129 : i32
      %parallel_loop3A_131 = arith.index_cast %parallel_loop3A_130 : i32 to index
      %parallel_loop3A_132 = tpu.vector_load %arg4[%parallel_loop3A_131] {strides = array<i32>} : memref<8192xf32, #tpu.memory_space<vmem>>, vector<16xf32>,
      %parallel_loop3A_133 = vector.bitcast %parallel_loop3A_132 : vector<16xf32> to vector<16xi32>
      %parallel_loop3A_134 = arith.constant 2147483647 : i32
      %parallel_loop3A_135 = vector.broadcast %parallel_loop3A_134 : i32 to vector<16xi32>
      %parallel_loop3A_136 = arith.andi %parallel_loop3A_133, %parallel_loop3A_135 : vector<16xi32>
      %parallel_loop3A_137 = vector.broadcast %while3A#0 : i32 to vector<16xi32>
      %parallel_loop3A_138 = arith.cmpi sge, %parallel_loop3A_136, %parallel_loop3A_137 : vector<16xi32>
      %parallel_loop3A_139 = arith.constant 0.000000e+00 : f32
      %parallel_loop3A_140 = vector.broadcast %parallel_loop3A_139 : f32 to vector<16xf32>
      %parallel_loop3A_141 = arith.select %parallel_loop3A_138, %parallel_loop3A_132, %parallel_loop3A_140 : vector<16xi1>, vector<16xf32>
      %parallel_loop3A_142 = arith.constant 16 : i32
      %parallel_loop3A_143 = arith.muli %parallel_loop3A_128, %parallel_loop3A_142 : i32
      %parallel_loop3A_144 = arith.index_cast %parallel_loop3A_143 : i32 to index
      %parallel_loop3A_145 = tpu.vector_load %arg4[%parallel_loop3A_144] {strides = array<i32>} : memref<8192xf32, #tpu.memory_space<vmem>>, vector<16xf32>,
      tpu.vector_store %arg4[%parallel_loop3A_144], %parallel_loop3A_141 {strides = array<i32>} : memref<8192xf32, #tpu.memory_space<vmem>>, vector<16xf32>,
    } {sc.loop_unroll_factor = 8 : i64, sc.parallel_access}
    %dma_start3A_98 = arith.constant 4096 : i32
    %dma_start3A_99 = tpu.memref_slice %arg4[%dma_start3A_98] : memref<8192xf32, #tpu.memory_space<vmem>> -> memref<4096xf32, #tpu.memory_space<vmem>>
    %dma_start3A_100 = arith.constant 4096 : i32
    %dma_start3A_101 = tpu.memref_slice %arg3[%add3A, %dma_start3A_100] : memref<32x8192xf32, #tpu.memory_space<hbm>> -> memref<1x4096xf32, #tpu.memory_space<hbm>>
    %dma_start3A_102 = tpu.memref_squeeze %dma_start3A_101 : memref<1x4096xf32, #tpu.memory_space<hbm>> -> memref<4096xf32, #tpu.memory_space<hbm>>
    %dma_start3A_103 = arith.constant 4096 : i32
    %dma_start3A_104 = tpu.memref_slice %arg3[%add3A, %dma_start3A_103] : memref<32x8192xf32, #tpu.memory_space<hbm>> -> memref<1x4096xf32, #tpu.memory_space<hbm>>
    %dma_start3A_105 = tpu.memref_squeeze %dma_start3A_104 : memref<1x4096xf32, #tpu.memory_space<hbm>> -> memref<4096xf32, #tpu.memory_space<hbm>>
    %dma_start3A_106 = arith.constant 4096 : i32
    %dma_start3A_107 = tpu.memref_slice %arg4[%dma_start3A_106] : memref<8192xf32, #tpu.memory_space<vmem>> -> memref<4096xf32, #tpu.memory_space<vmem>>
    tpu.enqueue_dma source(%dma_start3A_107 : memref<4096xf32, #tpu.memory_space<vmem>>) target(%dma_start3A_105 : memref<4096xf32, #tpu.memory_space<hbm>>) target_semaphore(%arg12 : memref<!tpu.dma_semaphore, #tpu.memory_space<semaphore_mem>>)
    %dma_wait3A_108 = arith.constant 0 : i32
    %dma_wait3A_109 = tpu.memref_slice %arg4[%dma_wait3A_108] : memref<8192xf32, #tpu.memory_space<vmem>> -> memref<4096xf32, #tpu.memory_space<vmem>>
    %dma_wait3A_110 = arith.constant 0 : i32
    %dma_wait3A_111 = tpu.memref_slice %arg3[%add3A, %dma_wait3A_110] : memref<32x8192xf32, #tpu.memory_space<hbm>> -> memref<1x4096xf32, #tpu.memory_space<hbm>>
    %dma_wait3A_112 = tpu.memref_squeeze %dma_wait3A_111 : memref<1x4096xf32, #tpu.memory_space<hbm>> -> memref<4096xf32, #tpu.memory_space<hbm>>
    %dma_wait3A_113 = arith.constant 0 : i32
    %dma_wait3A_114 = tpu.memref_slice %arg3[%add3A, %dma_wait3A_113] : memref<32x8192xf32, #tpu.memory_space<hbm>> -> memref<1x4096xf32, #tpu.memory_space<hbm>>
    %dma_wait3A_115 = tpu.memref_squeeze %dma_wait3A_114 : memref<1x4096xf32, #tpu.memory_space<hbm>> -> memref<4096xf32, #tpu.memory_space<hbm>>
    %dma_wait3A_116 = arith.constant 0 : i32
    %dma_wait3A_117 = tpu.memref_slice %arg4[%dma_wait3A_116] : memref<8192xf32, #tpu.memory_space<vmem>> -> memref<4096xf32, #tpu.memory_space<vmem>>
    tpu.wait_dma2 semaphore(%arg11 : memref<!tpu.dma_semaphore, #tpu.memory_space<semaphore_mem>>) src(%dma_wait3A_117 : memref<4096xf32, #tpu.memory_space<vmem>>) dst(%dma_wait3A_115 : memref<4096xf32, #tpu.memory_space<hbm>>)
    %dma_wait3A_118 = arith.constant 4096 : i32
    %dma_wait3A_119 = tpu.memref_slice %arg4[%dma_wait3A_118] : memref<8192xf32, #tpu.memory_space<vmem>> -> memref<4096xf32, #tpu.memory_space<vmem>>
    %dma_wait3A_120 = arith.constant 4096 : i32
    %dma_wait3A_121 = tpu.memref_slice %arg3[%add3A, %dma_wait3A_120] : memref<32x8192xf32, #tpu.memory_space<hbm>> -> memref<1x4096xf32, #tpu.memory_space<hbm>>
    %dma_wait3A_122 = tpu.memref_squeeze %dma_wait3A_121 : memref<1x4096xf32, #tpu.memory_space<hbm>> -> memref<4096xf32, #tpu.memory_space<hbm>>
    %dma_wait3A_123 = arith.constant 4096 : i32
    %dma_wait3A_124 = tpu.memref_slice %arg3[%add3A, %dma_wait3A_123] : memref<32x8192xf32, #tpu.memory_space<hbm>> -> memref<1x4096xf32, #tpu.memory_space<hbm>>
    %dma_wait3A_125 = tpu.memref_squeeze %dma_wait3A_124 : memref<1x4096xf32, #tpu.memory_space<hbm>> -> memref<4096xf32, #tpu.memory_space<hbm>>
    %dma_wait3A_126 = arith.constant 4096 : i32
    %dma_wait3A_127 = tpu.memref_slice %arg4[%dma_wait3A_126] : memref<8192xf32, #tpu.memory_space<vmem>> -> memref<4096xf32, #tpu.memory_space<vmem>>
    tpu.wait_dma2 semaphore(%arg12 : memref<!tpu.dma_semaphore, #tpu.memory_space<semaphore_mem>>) src(%dma_wait3A_127 : memref<4096xf32, #tpu.memory_space<vmem>>) dst(%dma_wait3A_125 : memref<4096xf32, #tpu.memory_space<hbm>>)
    return
  }
}

</mosaic_0001>

<sc_bundles>
// kernel: kernel.3.cloned.1.call-start
scs
__scs_entry_jumppad:
0x0: {  	(pc) =	sbr.rel $0x88, $3  }
0x1: {  	(tag) =	ssettag $0x0;
	lr =	simm.s32 $0x1  }
0x2: {  	[smem:$0x3FA0] =	sst lr;
	_ =	strace $0xD0000000  }
0x3: {  	_ = 	snop  }
0x4: {  	_ = 	snop  }
0x5: {  	_ = 	snop  }
0x6: {  	_ = 	snop  }
0x7: {  	_ = 	snop  }
__scs_overlays_trampoline_lowered:
0x8: {  	[smem:$0x3FAF] =	sst s0  }
0x9: {  	[smem:$0x3FB0] =	sst s1  }
0xa: {  	[smem:$0x3FB1] =	sst s2  }
0xb: {  	[smem:$0x3FB2] =	sst s3  }
0xc: {  	[smem:$0x3FB3] =	sst s4  }
0xd: {  	[smem:$0x3FB4] =	sst s5  }
0xe: {  	[smem:$0x3FB5] =	sst s6  }
0xf: {  	[smem:$0x3FB6] =	sst s7  }
0x10: {  	[smem:$0x3FB7] =	sst s8  }
0x11: {  	[smem:$0x3FB8] =	sst s9;
	s0 =	simm.s32 @!p0 $0x0  }
0x12: {  	s1 =	sld [smem:$0x3F9E];
	s0 =	simm.s32 @p0 $0x1  }
0x13: {  	[smem:$0x3FB9] =	sst s0;
	s0 =	simm.s32 @!p1 $0x0  }
0x14: {  	s2 =	sld [smem:$0x3F9D];
	s0 =	simm.s32 @p1 $0x1  }
0x15: {  	[smem:$0x3FBA] =	sst s0;
	s0 =	simm.s32 @!p2 $0x0  }
0x16: {  	s3 =	sld [smem:$0x3FDB];
	s0 =	simm.s32 @p2 $0x1  }
0x17: {  	s4 =	simm.s32 $0x1BF5;
	[smem:$0x3FBC] =	sst s0  }
0x18: {  	s0 =	sld [smem:$0x3F9F];
	_ =	swait.ge [sflag:s4], $0x0  }
0x19: {  	s7 =	sld [smem:$0x3FA0]  }
0x1a: {  	s8 =	sadd.s32 $0xFFFFE003, lr  }
0x1b: {  	s9 =	sadd.s32 $0xFFFFFEF7, lr;
	s5 =	simm.s32 $0xFFFFFFFF;
	p2 =	slt.u32 s8, $0xFFFFF086  }
0x1c: {  	p1 =	slt.u32 s9, $0xF7A;
	s5 =	simm.s32 @!p2 $0x0  }
0x1d: {  	s5 =	simm.s32 @p1 $0x1;
	p0 =	seq.s32 s7, s2  }
0x1e: {  	s7 =	smul.u32 @!p0 $0xF7A, s2;
	p2 =	seq.s32 @!p0 s5, $0x0  }
0x1f: {  	s9 =	smul.u32 $0xF7A, s1;
	s8 =	simm.s32 @!p0 $0x1BF5;
	p2 =	por !p2, p0  }
0x20: {  	[sflag:s8] =	ssyncset.s32 @!p0 $0xFFFFF086;
	s6 =	sadd.s32 @!p0 s3, s7;
	s7 =	simm.s32 @!p0 $0x108  }
0x21: {  	s3 =	sadd.s32 s3, s9;
	s6 =	sadd.s32 @!p0 $0x88, s6;
	s7 =	simm.s32 @p2 $0x1082  }
0x22: {  	[simem:s7], [sflag:s8] =	dma.local @!p0 [hbm:s6], $0xF7A  }
0x23: {  	s9 =	sor.u32 $0xD0000000, s2;
	s6 =	simm.s32 $0x108;
	_ =	swait.ge @!p0 [sflag:s8], $0x0  }
0x24: {  	s3 =	sadd.s32 $0x88, s3;
	s6 =	simm.s32 @!p1 $0x1082;
	[sflag:s4] =	ssyncset.s32 $0xFFFFF086  }
0x25: {  	[simem:s6], [sflag:s4] =	dma.local [hbm:s3], $0xF7A  }
0x26: {  	[smem:$0x3FA0] =	sst s1;
	(tag) =	ssettag s2;
	_ =	strace s9  }
0x27: {  	s1 =	sld [smem:$0x3FB0]  }
0x28: {  	s2 =	sld [smem:$0x3FB1]  }
0x29: {  	s4 =	sld [smem:$0x3FB3]  }
0x2a: {  	p0 =	seq.s32 s5, $0x0;
	s5 =	sld [smem:$0x3FB4]  }
0x2b: {  	s6 =	sld [smem:$0x3FB5]  }
0x2c: {  	s7 =	sld [smem:$0x3FB6]  }
0x2d: {  	s3 =	simm.s32 $0x108;
	s8 =	sld [smem:$0x3FB7]  }
0x2e: {  	s3 =	simm.s32 @!p0 $0x1082;
	s9 =	sld [smem:$0x3FB8]  }
0x2f: {  	lr =	sadd.s32 s0, s3;
	s0 =	sld [smem:$0x3FAF]  }
0x30: {  	s3 =	sld [smem:$0x3FB2]  }
0x31: {  	[smem:$0x3FBB] =	sst s10  }
0x32: {  	s10 =	sld [smem:$0x3FB9];
	_ =	sdelay $0x3  }
0x33: {  	p0 =	seq.s32 s10, $0x1;
	s10 =	sld [smem:$0x3FBB];
	_ =	sdelay $0x3  }
0x34: {  	[smem:$0x3FBB] =	sst s10  }
0x35: {  	s10 =	sld [smem:$0x3FBA];
	_ =	sdelay $0x3  }
0x36: {  	p1 =	seq.s32 s10, $0x1;
	s10 =	sld [smem:$0x3FBB];
	_ =	sdelay $0x3  }
0x37: {  	[smem:$0x3FBB] =	sst s10  }
0x38: {  	s10 =	sld [smem:$0x3FBC]  }
0x39: {  	_ = 	snop;
	(pc) =	sbr.ind lr, $3  }
0x3a: {  	_ = 	snop  }
0x3b: {  	_ = 	snop  }
0x3c: {  	p2 =	seq.s32 s10, $0x1;
	s10 =	sld [smem:$0x3FBB]  }
0x3d: {  	_ =	shalt  }
0x3e: {  	_ =	shalt  }
0x3f: {  	_ =	shalt  }
0x40: {  	_ =	shalt  }
0x41: {  	_ =	shalt  }
0x42: {  	_ =	shalt  }
0x43: {  	_ =	shalt  }
0x44: {  	_ =	shalt  }
0x45: {  	_ =	shalt  }
0x46: {  	_ =	shalt  }
0x47: {  	_ =	shalt  }
0x48: {  	_ =	shalt  }
0x49: {  	_ =	shalt  }
0x4a: {  	_ =	shalt  }
0x4b: {  	_ =	shalt  }
0x4c: {  	_ =	shalt  }
0x4d: {  	_ =	shalt  }
0x4e: {  	_ =	shalt  }
0x4f: {  	_ =	shalt  }
0x50: {  	_ =	shalt  }
0x51: {  	_ =	shalt  }
0x52: {  	_ =	shalt  }
0x53: {  	_ =	shalt  }
0x54: {  	_ =	shalt  }
0x55: {  	_ =	shalt  }
0x56: {  	_ =	shalt  }
0x57: {  	_ =	shalt  }
0x58: {  	_ =	shalt  }
0x59: {  	_ =	shalt  }
0x5a: {  	_ =	shalt  }
0x5b: {  	_ =	shalt  }
0x5c: {  	_ =	shalt  }
0x5d: {  	_ =	shalt  }
0x5e: {  	_ =	shalt  }
0x5f: {  	_ =	shalt  }
0x60: {  	_ =	shalt  }
0x61: {  	_ =	shalt  }
0x62: {  	_ =	shalt  }
0x63: {  	_ =	shalt  }
0x64: {  	_ =	shalt  }
0x65: {  	_ =	shalt  }
0x66: {  	_ =	shalt  }
0x67: {  	_ =	shalt  }
0x68: {  	_ =	shalt  }
0x69: {  	_ =	shalt  }
0x6a: {  	_ =	shalt  }
0x6b: {  	_ =	shalt  }
0x6c: {  	_ =	shalt  }
0x6d: {  	_ =	shalt  }
0x6e: {  	_ =	shalt  }
0x6f: {  	_ =	shalt  }
0x70: {  	_ =	shalt  }
0x71: {  	_ =	shalt  }
0x72: {  	_ =	shalt  }
0x73: {  	_ =	shalt  }
0x74: {  	_ =	shalt  }
0x75: {  	_ =	shalt  }
0x76: {  	_ =	shalt  }
0x77: {  	_ =	shalt  }
0x78: {  	_ =	shalt  }
0x79: {  	_ =	shalt  }
0x7a: {  	_ =	shalt  }
0x7b: {  	_ =	shalt  }
0x7c: {  	_ =	shalt  }
0x7d: {  	_ =	shalt  }
0x7e: {  	_ =	shalt  }
0x7f: {  	_ =	shalt  }
0x80: {  	_ =	shalt  }
0x81: {  	_ =	shalt  }
0x82: {  	_ =	shalt  }
0x83: {  	_ =	shalt  }
0x84: {  	_ =	shalt  }
0x85: {  	_ =	shalt  }
0x86: {  	_ =	shalt  }
0x87: {  	_ =	shalt  }
.Lfunc_end0:
.L_simem_size_0:
called_computation_lowered:
.L_overlay_start_0:
0x88: {  	s2 =	sld [smem:$0x3FD9]  }
0x89: {  	s3 =	sld [smem:$0x3FFE];
	_ =	sdelay $0x1  }
0x8a: {  	s1 =	srdreg.scid  }
0x8b: {  	s0 =	sand.u32 $0x1, s1  }
0x8c: {  	s18 =	sshll.u32 s0, $0xA;
	s2 =	sadd.s32 s3, s2  }
0x8d: {  	s2 =	sadd.s32 s2, s18  }
0x8e: {  	[smem:$0x3FC7] =	sst s2  }
0x8f: {  	_ = 	snop  }
0x90: {  	s2 =	sld [smem:$0x3FC9]  }
0x91: {  	s19 =	sld [smem:$0x3FD0];
	(tm) =	ssettm $0x1  }
0x92: {  	s4 =	sld [smem:$0x3FFB];
	_ =	sdelay $0x3  }
0x93: {  	_ =	strace s4  }
0x94: {  	s4 =	sld [smem:$0x3FFC];
	_ =	sdelay $0x3  }
0x95: {  	_ =	strace s4  }
0x96: {  	s4 =	sld [smem:$0x3FFD];
	_ =	sdelay $0x3  }
0x97: {  	_ =	strace s4  }
0x98: {  	_ =	strace $0x8FFFFFFF  }
0x99: {  	s20 =	sld [smem:$0x3FDB];
	_ =	sdelay $0x1  }
0x9a: {  	s5 =	simm.s32 $_scs_section_size  }
0x9b: {  	s6 =	simm.s32 $_size__tile_overlayer_lowered;
	s7 =	simm.s32 $_tile_overlayer_lowered  }
0x9c: {  	s23 =	simm.s32 $0x1BFF;
	s22 =	sshll.u32 s7, $0x1;
	s4 =	sadd.s32 s5, s20  }
0x9d: {  	s8 =	simm.s32 $0x0;
	s21 =	sshll.u32 s6, $0x1;
	s6 =	sadd.s32 s22, s4  }
0x9e: {  	[timem:s8], [sflag:s23] =	dma.local [hbm:s6], s21  }
0x9f: {  	_ =	swait.ge [sflag:s23], s21  }
0xa0: {  	s5 =	ssub.s32 $0x0, s21;
	[sflag:s23] =	ssyncset.done $0x0  }
0xa1: {  	[sflag:s23] =	ssyncadd.s32 s5;
	_ =	sdelay $0x1  }
0xa2: {  	s24 =	simm.s32 $0x1B8B  }
0xa3: {  	_ =	swait.ge [sflag:s24], $0x1  }
0xa4: {  	[sflag:s24] =	ssyncset.done $0x0  }
0xa5: {  	s25 =	simm.s32 $0x1B8E;
	[sflag:s24] =	ssyncadd.s32 $0xFFFFFFFF  }
0xa6: {  	s26 =	simm.s32 $execute0_lowered;
	[smem:$0x3FD2] =	sst s25  }
0xa7: {  	s5 =	sshll.u32 s26, $0x1;
	_ =	strace $0x80000046;
	[dreg:$0x1] =	wrdreg $0xFFFFFFFF  }
0xa8: {  	s28 =	simm.s32 $_size_execute0_lowered;
	s4 =	sadd.s32 s4, s5;
	[dreg:$0x0] =	wrdreg $0x0  }
0xa9: {  	s5 =	sshll.u32 s28, $0x1;
	[dreg:$0x2] =	wrdreg s4  }
0xaa: {  	[dreg:$0x3] =	wrdreg s5  }
0xab: {  	[dreg:$0x4] =	wrdreg $0xC0  }
0xac: {  	_ =	task [dreg:s8], $0x5FFFF  }
0xad: {  	[dreg:$0x1] =	wrdreg $0xFFFFFFFF  }
0xae: {  	[dreg:$0x0] =	wrdreg $0x60  }
0xaf: {  	[dreg:$0x2] =	wrdreg s2  }
0xb0: {  	[dreg:$0x3] =	wrdreg s19  }
0xb1: {  	[dreg:$0x4] =	wrdreg $0x9  }
0xb2: {  	_ =	task.clear_ibuf [dreg:s8], $0x5FFFF;
	_ =	strace $0x90000046  }
0xb3: {  	s29 =	simm.s32 $0x9;
	_ =	strace $0x80000048  }
0xb4: {  	_ =	swait.ge [sflag:s29], $0x1  }
0xb5: {  	[sflag:s29] =	ssyncadd.s32 $0xFFFFFFFF  }
0xb6: {  	_ =	strace $0x90000048  }
0xb7: {  	_ =	sfence  }
0xb8: {  	s30 =	sld [smem:$0x0];
	_ =	sdelay $0x2  }
0xb9: {  	s31 =	sshll.u32 s1, $0xD;
	s1 =	sshrl.u32 s1, $0x2  }
0xba: {  	s3 =	sand.u32 $0x4000, s31;
	s1 =	sadd.s32 s1, s30  }
0xbb: {  	s0 =	sor.u32 s3, s0;
	s1 =	sshll.u32 s1, $0x11  }
0xbc: {  	s0 =	sor.u32 s1, s0  }
0xbd: {  	s0 =	sadd.s32 $0x8F2B, s0  }
0xbe: {  	[sflag:s0] =	ssyncadd.remote.s32 $0x1  }
0xbf: {  	_ =	sfence.sel $0xFFFF  }
0xc0: {  	[dreg:$0x0] =	wrdreg $0xFFFFFFFF;
	(pc) =	sbr.abs _section_cstart, $3  }
0xc1: {  	[dreg:$0x1] =	wrdreg $0xFFFFFFFF  }
0xc2: {  	_ =	task.clear_ibuf [dreg:s8], $0x2FFFF;
	_ =	strace $0x9FFFFFFF  }
0xc3: {  	(tm) =	ssettm $0x7FFFFFFF  }
tec
execute0_lowered:
.L_overlay_start_1:
0x0: {  	(tag) =	ssettag $0x1  }
0x1: {  	s0 =	rddreg [dreg:$0x0]  }
0x2: {  	s6 =	rddreg [dreg:$0x1]  }
0x3: {  	s2 =	simm.s32 $0x0;
	s3 =	srdreg.scid;
	s1 =	stileid.u32  }
0x4: {  	s9 =	simm.s32 $0x400;
	s10 =	simm.s32 $0x1000;
	s11 =	simm.s32 $0x1  }
0x5: {  	s12 =	simm.s32 $0x2;
	s13 =	simm.s32 $0x3;
	s14 =	simm.s32 $0x4  }
0x6: {  	s15 =	simm.s32 $0x0;
	s3 =	sand.u32 $0x1, s3;
	s4 =	sshll.u32 s1, $0x5  }
0x7: {  	s5 =	sshll.u32 s1, $0xB;
	s7 =	sshll.u32 s3, $0x4;
	s4 =	sand.u32 $0x60, s4  }
0x8: {  	s3 =	ssub.s32 $0x2, s3;
	s5 =	sand.u32 $0x6000, s5;
	s4 =	sor.u32 s7, s4  }
0x9: {  	[smem:$0x7FF] =	sst s2;
	s31 =	sshrl.u32 s3, $0x1;
	s5 =	sor.u32 s5, s4  }
0xa: {  	_ =	strace $0x80000047;
	s7 =	ssub.s32 s3, s31;
	s3 =	sadd.s32 s0, s5  }
0xb: {  	s8 =	sor.u32 $0x1000, s5;
	s5 =	sadd.s32 s6, s5;
	s7 =	smax.u32 s7, $0x1  }
0xc: {  	v0 =	vimm.s32 $0x0;
	v1 =	vlaneseq.u32;
	s4 =	sadd.s32 s0, s8;
	s6 =	sadd.s32 s6, s8;
	s8 =	simm.s32 $0x80  }
.LBB2_1:
0xd: {  	[tilespmem:s2], [sflag:$0x1] =	stream.strided.gather [hbm4b:s3+s8], $0x1000, s9, s8, $0x38;
	[tilespmem:$0xA100] =	vst v63  }
0xe: {  	_ = 	snop  }
0xf: {  	[tilespmem:s10], [sflag:$0x2] =	stream.strided.gather [hbm4b:s4+s8], $0x1000, s9, s8, $0x38;
	[tilespmem:$0xA100] =	vst v63  }
0x10: {  	_ =	swait.ge [sflag:s11], $0x1000  }
0x11: {  	[sflag:s11] =	ssyncset.done $0x0  }
0x12: {  	s0 =	simm.s32 $0x40;
	[sflag:s11] =	ssyncadd.s32 $0xFFFFF000  }
0x13: {  	v2 =	vld [tilespmem:s0+$0xFFFFFFC0]  }
0x14: {  	v3 =	vld [tilespmem:s0+$0xFFFFFFD0]  }
0x15: {  	v4 =	vld [tilespmem:s0+$0xFFFFFFE0];
	_ =	sdelay $0x3  }
0x16: {  	v5 =	vld [tilespmem:s0+$0xFFFFFFF0];
	v10 =	vand.u32 $0x7FFFFFFF, v2;
	v13 =	vand.u32 $0x7FFFFFFF, v3  }
0x17: {  	v6 =	vld [tilespmem:s0+$0x0];
	v3 =	vand.u32 $0x7FFFFFFF, v4;
	vm0 =	vgt.u32 v10, $0x401CCCCC;
	vm1 =	vgt.u32 v10, $0x3FF33332  }
0x18: {  	vm2 =	vgt.u32 v3, $0x401CCCCC;
	vm4 =	vgt.u32 v3, $0x3FF33332;
	vm3 =	vmxor vm0, vm1  }
0x19: {  	v8 =	vld [tilespmem:s0+$0x10];
	v2 =	vsel vm0, $0x1, v0;
	vm0 =	vgt.u32 v13, $0x401CCCCC;
	vm1 =	vgt.u32 v13, $0x3FF33332  }
0x1a: {  	vm4 =	vmxor vm2, vm4;
	v11 =	vsel vm2, $0x1, v0;
	v7 =	vsel vm3, $0x1, v0  }
0x1b: {  	v9 =	vadd.s32 v2, v0;
	v2 =	vand.u32 $0x7FFFFFFF, v5;
	v4 =	vsel vm0, $0x1, v0;
	(xrf0) =	vadd.scan.msk.s32 $0xffff, v7  }
0x1c: {  	vm9 =	vmxor vm0, vm1;
	v12 =	vsel vm4, $0x1, v0;
	v5 =	vand.u32 $0x7FFFFFFF, v6;
	v7 =	vld [tilespmem:s0+$0x20]  }
0x1d: {  	v9 =	vadd.s32 v4, v9;
	vm0 =	vgt.u32 v2, $0x3FF33332;
	vm5 =	vgt.u32 v2, $0x401CCCCC  }
0x1e: {  	v4 =	vand.u32 $0x7FFFFFFF, v8;
	vm7 =	vgt.u32 v5, $0x3FF33332;
	v8 =	vsel vm9, $0x1, v0  }
0x1f: {  	vm1 =	vmxor vm5, vm0;
	vm0 =	vgt.u32 v4, $0x401CCCCC;
	(xrf0) =	vadd.scan.msk.s32 $0xffff, v12;
	vm2 =	vgt.u32 v4, $0x3FF33332;
	v12 =	vld [tilespmem:s0+$0x30]  }
0x20: {  	vm10 =	vgt.u32 v5, $0x401CCCCC;
	v14 =	vsel vm5, $0x1, v0;
	vm2 =	vmxor vm0, vm2  }
0x21: {  	v16 =	vsel vm2, $0x1, v0;
	v6 =	vand.u32 $0x7FFFFFFF, v7;
	v7 =	vsel vm1, $0x1, v0;
	v15, _, _ =	vpop (xrf0);
	(xrf0) =	vadd.scan.msk.s32 $0xffff, v8  }
0x22: {  	vm8 =	vgt.u32 v6, $0x401CCCCC;
	vm5 =	vgt.u32 v6, $0x3FF33332;
	v8 =	vadd.s32 v11, v9;
	(xrf0) =	vadd.scan.msk.s32 $0xffff, v16  }
0x23: {  	v11 =	vsel vm0, $0x1, v0;
	(v2sf) =	vpush v15, $0xF;
	vm6 =	vmxor vm8, vm5  }
0x24: {  	vm5 =	vmxor vm10, vm7;
	(xrf0) =	vadd.scan.msk.s32 $0xffff, v7;
	v9 =	vsel vm6, $0x1, v0;
	v7 =	vand.u32 $0x7FFFFFFF, v12  }
0x25: {  	v8 =	vadd.s32 v14, v8;
	vm7 =	vgt.u32 v7, $0x401CCCCC;
	vm0 =	vgt.u32 v7, $0x3FF33332  }
0x26: {  	s16 =	simm.s32 $0xC0;
	v15, _, _ =	vpop (xrf0);
	v16 =	vsel vm5, $0x1, v0;
	v12 =	vsel vm10, $0x1, v0;
	(xrf0) =	vadd.scan.msk.s32 $0xffff, v9;
	vm0 =	vmxor vm7, vm0  }
0x27: {  	v19 =	vld [tilespmem:s16+$0x10];
	(v2sf) =	vpush v15, $0xF;
	v8 =	vadd.s32 v12, v8;
	(xrf0) =	vadd.scan.msk.s32 $0xffff, v16;
	v14 =	vsel vm0, $0x1, v0;
	v9, _, _ =	vpop (xrf0)  }
0x28: {  	v15 =	vsel vm8, $0x1, v0;
	v8 =	vadd.s32 v11, v8;
	(v2sf) =	vpush v9, $0xF;
	v9, _, _ =	vpop (xrf0)  }
0x29: {  	v12 =	vld [tilespmem:s16+$0xFFFFFFC0];
	v8 =	vadd.s32 v15, v8;
	(v2sf) =	vpush v9, $0xF  }
0x2a: {  	(xrf0) =	vadd.scan.msk.s32 $0xffff, v14;
	v14, _, _ =	vpop (xrf0)  }
0x2b: {  	v11 =	vld [tilespmem:s16+$0xFFFFFFD0];
	v9 =	vsel vm7, $0x1, v0;
	(v2sf) =	vpush v14, $0xF  }
0x2c: {  	[tilespmem:s2+$0x2000] =	vst.msk vm3, v10;
	v10 =	vand.u32 $0x7FFFFFFF, v19;
	vm2 =	vmmov vm2;
	v16 =	vadd.s32 v9, v8;
	v8, _, _ =	vpop (xrf0)  }
0x2d: {  	vm5 =	vmmov vm5;
	vm8 =	vmmov vm4;
	v14, _, _ =	vpop (xrf0);
	(v2sf) =	vpush v8, $0xF  }
0x2e: {  	v15 =	vld [tilespmem:s16+$0xFFFFFFE0];
	vm7 =	vmmov vm1;
	v9 =	vand.u32 $0x7FFFFFFF, v12;
	(v2sf) =	vpush v14, $0xF  }
0x2f: {  	v17 =	vld [tilespmem:s16+$0xFFFFFFF0];
	vm1 =	vmmov vm6;
	vm6 =	vgt.u32 v9, $0x401CCCCC;
	vm4 =	vgt.u32 v9, $0x3FF33332  }
0x30: {  	v8 =	vand.u32 $0x7FFFFFFF, v11;
	vm4 =	vmxor vm6, vm4;
	v11 =	vsel vm6, $0x1, v0;
	v12, _, _ =	vpop (xrf0)  }
0x31: {  	v18 =	vld [tilespmem:s16+$0x0];
	vm10 =	vgt.u32 v8, $0x401CCCCC;
	v20 =	vsel vm4, $0x1, v0;
	(v2sf) =	vpush v12, $0xF  }
0x32: {  	vm3 =	vgt.u32 v8, $0x3FF33332;
	v11 =	vadd.s32 v11, v16;
	v14 =	vsel vm10, $0x1, v0;
	(xrf0) =	vadd.scan.msk.s32 $0xffff, v20  }
0x33: {  	vm3 =	vmxor vm10, vm3;
	v12 =	vand.u32 $0x7FFFFFFF, v15;
	v11 =	vadd.s32 v14, v11  }
0x34: {  	v14 =	vand.u32 $0x7FFFFFFF, v17;
	vm11 =	vgt.u32 v12, $0x401CCCCC;
	vm6 =	vgt.u32 v12, $0x3FF33332;
	s31 =	spop (v2sf)  }
0x35: {  	v16 =	vld [tilespmem:s16+$0x20];
	vm10 =	vgt.u32 v14, $0x3FF33332;
	vm6 =	vmxor vm11, vm6;
	v15 =	vsel vm11, $0x1, v0;
	s18 =	sadd.s32 $0x0, s31  }
0x36: {  	s17 =	simm.s32 $0x8;
	v17 =	vsel vm6, $0x1, v0;
	s19 =	spop (v2sf);
	[tilespmem:s18+$0x2000] =	vst.msk vm9, v13;
	vm9 =	vgt.u32 v14, $0x401CCCCC;
	v13 =	vand.u32 $0x7FFFFFFF, v18  }
.LBB2_2:
0x37: {  	s17 =	sadd.s32 $0x8, s17;
	vm10 =	vmxor vm9, vm10;
	vm11 =	vgt.u32 v13, $0x3FF33332;
	vm12 =	vgt.u32 v10, $0x401CCCCC;
	(xrf0) =	vadd.scan.msk.s32 $0xffff, v17;
	s0 =	spop (v2sf)  }
0x38: {  	v17 =	vsel vm3, $0x1, v0;
	v18 =	vsel vm9, $0x1, v0;
	vm9 =	vgt.u32 v10, $0x3FF33332;
	p0 =	slt.u32 s17, $0xF8;
	v19, _, _ =	vpop (xrf0);
	s0 =	sadd.s32 s18, s0;
	s18 =	spop (v2sf)  }
0x39: {  	v11 =	vadd.s32 v15, v11;
	vm9 =	vmxor vm12, vm9;
	v15 =	vld [tilespmem:s16+$0x30];
	(v2sf) =	vpush v19, $0xF;
	[tilespmem:s0+$0x2000] =	vst.msk vm8, v3;
	s0 =	sadd.s32 s0, s19;
	v3 =	vmovc v12  }
0x3a: {  	v16 =	vand.u32 $0x7FFFFFFF, v16;
	v12 =	vsel vm9, $0x1, v0;
	(xrf0) =	vadd.scan.msk.s32 $0xffff, v17;
	[tilespmem:s0+$0x2000] =	vst.msk vm7, v2;
	s19 =	spop (v2sf);
	v2 =	vmovc v14  }
0x3b: {  	vm7 =	vgt.u32 v13, $0x401CCCCC;
	v14 =	vsel vm12, $0x1, v0;
	vm12 =	vgt.u32 v16, $0x401CCCCC;
	(xrf0) =	vadd.scan.msk.s32 $0xffff, v12  }
0x3c: {  	vm13 =	vgt.u32 v16, $0x3FF33332;
	v12 =	vsel vm10, $0x1, v0;
	v17 =	vsel vm12, $0x1, v0;
	s20 =	spop (v2sf)  }
0x3d: {  	v11 =	vadd.s32 v18, v11;
	vm8 =	vmxor vm7, vm11;
	vm11 =	vmxor vm12, vm13;
	s0 =	sadd.s32 s0, s19;
	v18, _, _ =	vpop (xrf0);
	(xrf0) =	vadd.scan.msk.s32 $0xffff, v12;
	s19 =	spop (v2sf)  }
0x3e: {  	v19 =	vsel vm11, $0x1, v0;
	v12 =	vsel vm8, $0x1, v0;
	(v2sf) =	vpush v18, $0xF;
	[tilespmem:s0+$0x2000] =	vst.msk vm5, v5;
	s0 =	sadd.s32 s0, s19;
	v5 =	vmovc v13  }
0x3f: {  	v13 =	vsel vm7, $0x1, v0;
	v15 =	vand.u32 $0x7FFFFFFF, v15;
	(xrf0) =	vadd.scan.msk.s32 $0xffff, v19;
	[tilespmem:s0+$0x2000] =	vst.msk vm2, v4;
	s0 =	sadd.s32 s0, s18;
	v4 =	vmovc v10  }
0x40: {  	vm2 =	vgt.u32 v15, $0x401CCCCC;
	vm5 =	vgt.u32 v15, $0x3FF33332;
	v10, _, _ =	vpop (xrf0);
	(xrf0) =	vadd.scan.msk.s32 $0xffff, v12;
	[tilespmem:s0+$0x2000] =	vst.msk vm1, v6;
	s0 =	sadd.s32 s0, s20;
	s18 =	spop (v2sf)  }
0x41: {  	s16 =	sadd.s32 $0x80, s16;
	v13 =	vadd.s32 v13, v11;
	(v2sf) =	vpush v10, $0xF;
	v10, _, _ =	vpop (xrf0);
	[tilespmem:s0+$0x2000] =	vst.msk vm0, v7;
	vm0 =	vmxor vm2, vm5;
	s0 =	sadd.s32 s0, s18  }
0x42: {  	v6 =	vmovc v16;
	v7 =	vmovc v15;
	v11 =	vld [tilespmem:s16+$0xFFFFFFC0];
	[tilespmem:s0+$0x2000] =	vst.msk vm4, v9;
	v9 =	vadd.s32 v14, v13;
	v12 =	vsel vm0, $0x1, v0;
	(v2sf) =	vpush v10, $0xF  }
0x43: {  	vm7 =	vmmov vm10;
	v13 =	vsel vm2, $0x1, v0;
	v10 =	vld [tilespmem:s16+$0xFFFFFFD0];
	v15 =	vadd.s32 v17, v9;
	v14, _, _ =	vpop (xrf0);
	(xrf0) =	vadd.scan.msk.s32 $0xffff, v12  }
0x44: {  	vm2 =	vmmov vm9;
	v12 =	vld [tilespmem:s16+$0xFFFFFFE0];
	v13 =	vadd.s32 v13, v15;
	(v2sf) =	vpush v14, $0xF  }
0x45: {  	vm1 =	vmmov vm11;
	vm5 =	vmmov vm8;
	vm8 =	vmmov vm6;
	v14 =	vld [tilespmem:s16+$0xFFFFFFF0];
	v9, _, _ =	vpop (xrf0)  }
0x46: {  	v15, _, _ =	vpop (xrf0);
	(v2sf) =	vpush v9, $0xF  }
0x47: {  	v9 =	vand.u32 $0x7FFFFFFF, v11;
	v18 =	vld [tilespmem:s16+$0x0];
	(v2sf) =	vpush v15, $0xF  }
0x48: {  	vm6 =	vgt.u32 v9, $0x401CCCCC;
	vm4 =	vgt.u32 v9, $0x3FF33332;
	v10 =	vand.u32 $0x7FFFFFFF, v10;
	s18 =	spop (v2sf)  }
0x49: {  	vm4 =	vmxor vm6, vm4;
	v11 =	vsel vm6, $0x1, v0;
	vm9 =	vgt.u32 v10, $0x401CCCCC;
	s18 =	sadd.s32 s0, s18;
	v15, _, _ =	vpop (xrf0)  }
0x4a: {  	vm10 =	vgt.u32 v10, $0x3FF33332;
	v17 =	vsel vm4, $0x1, v0;
	v19 =	vld [tilespmem:s16+$0x10];
	[tilespmem:s18+$0x2000] =	vst.msk vm3, v8;
	(v2sf) =	vpush v15, $0xF;
	v8 =	vmovc v10  }
.Ltmp0:
0x4b: {  	v12 =	vand.u32 $0x7FFFFFFF, v12;
	v10 =	vadd.s32 v11, v13;
	v14 =	vand.u32 $0x7FFFFFFF, v14;
	v16 =	vld [tilespmem:s16+$0x20];
	(xrf0) =	vadd.scan.msk.s32 $0xffff, v17;
	(pc) =	sbr.rel @p0 .LBB2_2-.Ltmp0, $4  }
0x4c: {  	v11 =	vsel vm9, $0x1, v0;
	vm3 =	vgt.u32 v12, $0x401CCCCC;
	vm6 =	vgt.u32 v12, $0x3FF33332  }
0x4d: {  	v11 =	vadd.s32 v11, v10;
	vm6 =	vmxor vm3, vm6;
	v15 =	vsel vm3, $0x1, v0;
	s19 =	spop (v2sf)  }
0x4e: {  	vm3 =	vmxor vm9, vm10;
	vm10 =	vgt.u32 v14, $0x3FF33332;
	v17 =	vsel vm6, $0x1, v0  }
0x4f: {  	vm9 =	vgt.u32 v14, $0x401CCCCC;
	v13 =	vand.u32 $0x7FFFFFFF, v18;
	v10 =	vand.u32 $0x7FFFFFFF, v19  }
0x50: {  	vm15 =	vmxor vm9, vm10  }
0x51: {  	vm10 =	vgt.u32 v13, $0x3FF33332;
	vm12 =	vgt.u32 v10, $0x401CCCCC;
	v18 =	vimm.s32 $0x0  }
0x52: {  	vm11 =	vgt.u32 v10, $0x3FF33332;
	(xrf0) =	vadd.scan.msk.s32 $0xffff, v17;
	v17 =	vsel vm3, $0x1, v0;
	v16 =	vand.u32 $0x7FFFFFFF, v16  }
0x53: {  	v18 =	vsel vm12, $0xFFFFFFFF, v18;
	vm14 =	vmxor vm12, vm11;
	(xrf0) =	vadd.scan.msk.s32 $0xffff, v17;
	vm12 =	vgt.u32 v16, $0x401CCCCC  }
0x54: {  	v17 =	vimm.s32 $0x0;
	vm11 =	vgt.u32 v16, $0x3FF33332;
	[tilespmem:$0x1FFE0] =	vst v18;
	v19 =	vsel vm14, $0x1, v0  }
0x55: {  	v17 =	vsel vm12, $0xFFFFFFFF, v17;
	vm12 =	vmxor vm12, vm11;
	vm11 =	vgt.u32 v13, $0x401CCCCC;
	v18 =	vld [tilespmem:s16+$0x30]  }
0x56: {  	[tilespmem:$0x1FFF0] =	vst v17;
	(xrf0) =	vadd.scan.msk.s32 $0xffff, v19;
	v17 =	vsel vm15, $0x1, v0;
	v19 =	vimm.s32 $0x0  }
0x57: {  	v19 =	vsel vm11, $0xFFFFFFFF, v19;
	vm11 =	vmxor vm11, vm10;
	(xrf0) =	vadd.scan.msk.s32 $0xffff, v17;
	v17 =	vsel vm12, $0x1, v0  }
0x58: {  	[tilespmem:$0x1FFD0] =	vst v19;
	v19 =	vsel vm11, $0x1, v0  }
0x59: {  	(xrf0) =	vadd.scan.msk.s32 $0xffff, v17  }
0x5a: {  	v17, _, _ =	vpop (xrf0);
	(xrf0) =	vadd.scan.msk.s32 $0xffff, v19;
	v18 =	vand.u32 $0x7FFFFFFF, v18  }
0x5b: {  	v19, _, _ =	vpop (xrf0);
	(v2sf) =	vpush v17, $0xF;
	vm13 =	vgt.u32 v18, $0x401CCCCC;
	vm10 =	vgt.u32 v18, $0x3FF33332  }
0x5c: {  	(v2sf) =	vpush v19, $0xF;
	v17, _, _ =	vpop (xrf0);
	vm10 =	vmxor vm13, vm10  }
0x5d: {  	(v2sf) =	vpush v17, $0xF;
	v17, _, _ =	vpop (xrf0);
	v19 =	vsel vm10, $0x1, v0  }
0x5e: {  	(v2sf) =	vpush v17, $0xF;
	v17, _, _ =	vpop (xrf0);
	(xrf0) =	vadd.scan.msk.s32 $0xffff, v19  }
0x5f: {  	(v2sf) =	vpush v17, $0xF;
	v17, _, _ =	vpop (xrf0)  }
0x60: {  	(v2sf) =	vpush v17, $0xF;
	v17, _, _ =	vpop (xrf0)  }
0x61: {  	(v2sf) =	vpush v17, $0xF;
	_ =	sdelay $0x2  }
0x62: {  	s0 =	spop (v2sf);
	v17, _, _ =	vpop (xrf0)  }
0x63: {  	s29 =	spop (v2sf);
	(v2sf) =	vpush v17, $0xF  }
0x64: {  	s0 =	sadd.s32 s18, s0;
	s17 =	spop (v2sf)  }
0x65: {  	s30 =	spop (v2sf);
	[tilespmem:s0+$0x2000] =	vst.msk vm8, v3;
	s0 =	sadd.s32 s0, s19  }
0x66: {  	s31 =	spop (v2sf);
	[tilespmem:s0+$0x2000] =	vst.msk vm7, v2;
	s0 =	sadd.s32 s0, s17  }
0x67: {  	[tilespmem:s0+$0x2000] =	vst.msk vm5, v5;
	s0 =	sadd.s32 s0, s31;
	s19 =	spop (v2sf)  }
0x68: {  	[tilespmem:s0+$0x2000] =	vst.msk vm2, v4;
	s0 =	sadd.s32 s0, s29;
	s20 =	spop (v2sf)  }
0x69: {  	[tilespmem:s0+$0x2000] =	vst.msk vm1, v6;
	s0 =	sadd.s32 s0, s30;
	s21 =	spop (v2sf)  }
0x6a: {  	[tilespmem:s0+$0x2000] =	vst.msk vm0, v7;
	s0 =	sadd.s32 s0, s19;
	s22 =	spop (v2sf)  }
0x6b: {  	[tilespmem:s0+$0x2000] =	vst.msk vm4, v9;
	s0 =	sadd.s32 s0, s20;
	s23 =	spop (v2sf)  }
0x6c: {  	vm0 =	vmmov vm6;
	[tilespmem:s0+$0x2000] =	vst.msk vm3, v8;
	s0 =	sadd.s32 s0, s22;
	s24 =	spop (v2sf)  }
0x6d: {  	vm1 =	vmmov vm15;
	[tilespmem:s0+$0x2000] =	vst.msk vm0, v12;
	s0 =	sadd.s32 s0, s21;
	s25 =	spop (v2sf)  }
0x6e: {  	vm0 =	vmmov vm11;
	[tilespmem:s0+$0x2000] =	vst.msk vm1, v14;
	s0 =	sadd.s32 s0, s24;
	s26 =	spop (v2sf)  }
0x6f: {  	vm1 =	vmmov vm14;
	[tilespmem:s0+$0x2000] =	vst.msk vm0, v13;
	s0 =	sadd.s32 s0, s26  }
0x70: {  	vm0 =	vmmov vm12;
	[tilespmem:s0+$0x2000] =	vst.msk vm1, v10;
	s0 =	sadd.s32 s0, s23  }
0x71: {  	[tilespmem:s0+$0x2000] =	vst.msk vm0, v16;
	s28 =	sadd.s32 s0, s25  }
0x72: {  	[tilespmem:s28+$0x2000] =	vst.msk vm10, v18;
	s29 =	spop (v2sf)  }
0x73: {  	v3 =	vsel vm9, $0x1, v0;
	v4 =	vadd.s32 v15, v11;
	_ =	swait.ge [sflag:s12], $0x1000  }
0x74: {  	v3 =	vadd.s32 v3, v4;
	v4 =	vld [tilespmem:$0x1FFD0]  }
0x75: {  	[sflag:s12] =	ssyncset.done $0x0;
	v6 =	vld [tilespmem:$0x1FFE0]  }
0x76: {  	s30 =	simm.s32 $0x1070;
	v7 =	vld [tilespmem:$0x1FFF0];
	[sflag:s12] =	ssyncadd.s32 $0xFFFFF000  }
0x77: {  	v2 =	vld [tilespmem:s30+$0xFFFFFF90]  }
0x78: {  	v5 =	vld [tilespmem:s30+$0xFFFFFFA0];
	_ =	sdelay $0x1  }
0x79: {  	vm0 =	vnez.u8 v4  }
0x7a: {  	v4 =	vsel vm0, $0x1, v0;
	vm0 =	vnez.u8 v6  }
0x7b: {  	v6 =	vsel vm0, $0x1, v0;
	v3 =	vadd.s32 v4, v3;
	vm0 =	vnez.u8 v7  }
0x7c: {  	v4 =	vld [tilespmem:s30+$0xFFFFFFB0];
	v11 =	vand.u32 $0x7FFFFFFF, v2;
	v12 =	vand.u32 $0x7FFFFFFF, v5;
	v7 =	vsel vm0, $0x1, v0  }
0x7d: {  	v3 =	vadd.s32 v6, v3;
	v6 =	vld [tilespmem:s30+$0xFFFFFFC0];
	vm0 =	vgt.u32 v11, $0x401CCCCC;
	vm1 =	vgt.u32 v11, $0x3FF33332  }
0x7e: {  	v8 =	vld [tilespmem:s30+$0xFFFFFFE0];
	v3 =	vadd.s32 v7, v3;
	v7 =	vsel vm13, $0x1, v0;
	vm4 =	vmxor vm0, vm1  }
0x7f: {  	vm1 =	vgt.u32 v12, $0x3FF33332;
	v2 =	vadd.s32 v7, v3;
	v3 =	vsel vm0, $0x1, v0  }
0x80: {  	v7 =	vld [tilespmem:s30+$0xFFFFFFD0];
	vm0 =	vgt.u32 v12, $0x401CCCCC;
	v5 =	vsel vm4, $0x1, v0;
	v9 =	vadd.s32 v3, v2  }
0x81: {  	vm9 =	vmxor vm0, vm1;
	v3 =	vand.u32 $0x7FFFFFFF, v4;
	v4 =	vsel vm0, $0x1, v0  }
0x82: {  	v2 =	vand.u32 $0x7FFFFFFF, v6;
	vm2 =	vgt.u32 v3, $0x401CCCCC;
	vm3 =	vgt.u32 v3, $0x3FF33332  }
0x83: {  	(xrf0) =	vadd.scan.msk.s32 $0xffff, v5;
	v9 =	vadd.s32 v4, v9;
	v4 =	vand.u32 $0x7FFFFFFF, v8;
	vm3 =	vmxor vm2, vm3  }
0x84: {  	v6 =	vld [tilespmem:s30+$0xFFFFFFF0];
	v10 =	vsel vm2, $0x1, v0;
	vm0 =	vgt.u32 v2, $0x3FF33332;
	vm5 =	vgt.u32 v2, $0x401CCCCC  }
0x85: {  	vm2 =	vgt.u32 v4, $0x3FF33332;
	v13 =	vsel vm3, $0x1, v0;
	v5 =	vand.u32 $0x7FFFFFFF, v7  }
0x86: {  	v8 =	vld [tilespmem:s30+$0x0];
	vm1 =	vmxor vm5, vm0;
	vm0 =	vgt.u32 v4, $0x401CCCCC;
	v7 =	vsel vm9, $0x1, v0  }
0x87: {  	v9 =	vadd.s32 v10, v9;
	(xrf0) =	vadd.scan.msk.s32 $0xffff, v13;
	vm7 =	vgt.u32 v5, $0x3FF33332;
	vm2 =	vmxor vm0, vm2  }
0x88: {  	v13 =	vsel vm5, $0x1, v0;
	vm10 =	vgt.u32 v5, $0x401CCCCC;
	v15 =	vsel vm2, $0x1, v0;
	(xrf0) =	vadd.scan.msk.s32 $0xffff, v7  }
0x89: {  	v14, _, _ =	vpop (xrf0);
	v7 =	vsel vm1, $0x1, v0;
	v9 =	vadd.s32 v13, v9;
	v6 =	vand.u32 $0x7FFFFFFF, v6;
	(xrf0) =	vadd.scan.msk.s32 $0xffff, v15  }
0x8a: {  	(v2sf) =	vpush v14, $0xF;
	vm8 =	vgt.u32 v6, $0x401CCCCC;
	vm5 =	vgt.u32 v6, $0x3FF33332  }
0x8b: {  	v14 =	vsel vm0, $0x1, v0;
	(xrf0) =	vadd.scan.msk.s32 $0xffff, v7;
	v7 =	vand.u32 $0x7FFFFFFF, v8;
	vm6 =	vmxor vm8, vm5  }
0x8c: {  	vm5 =	vmxor vm10, vm7;
	vm7 =	vgt.u32 v7, $0x401CCCCC;
	v10 =	vsel vm6, $0x1, v0  }
0x8d: {  	s16 =	simm.s32 $0x10F0;
	vm0 =	vgt.u32 v7, $0x3FF33332;
	v16 =	vsel vm5, $0x1, v0;
	v15, _, _ =	vpop (xrf0);
	(xrf0) =	vadd.scan.msk.s32 $0xffff, v10;
	v10 =	vsel vm10, $0x1, v0  }
0x8e: {  	v20 =	vld [tilespmem:s16+$0xFFFFFFE0];
	vm0 =	vmxor vm7, vm0;
	(v2sf) =	vpush v15, $0xF;
	(xrf0) =	vadd.scan.msk.s32 $0xffff, v16;
	v8, _, _ =	vpop (xrf0);
	v9 =	vadd.s32 v10, v9  }
0x8f: {  	v15 =	vsel vm8, $0x1, v0;
	(v2sf) =	vpush v8, $0xF;
	v8, _, _ =	vpop (xrf0);
	v9 =	vadd.s32 v14, v9  }
0x90: {  	v13 =	vsel vm0, $0x1, v0;
	v10 =	vld [tilespmem:s16+$0xFFFFFF90];
	(v2sf) =	vpush v8, $0xF;
	v9 =	vadd.s32 v15, v9  }
0x91: {  	(xrf0) =	vadd.scan.msk.s32 $0xffff, v13;
	v14, _, _ =	vpop (xrf0)  }
0x92: {  	s17 =	sadd.s32 s28, s29;
	v13 =	vsel vm7, $0x1, v0;
	v8 =	vld [tilespmem:s16+$0xFFFFFFA0];
	(v2sf) =	vpush v14, $0xF  }
0x93: {  	[tilespmem:s17+$0x2000] =	vst.msk vm4, v11;
	v11 =	vand.u32 $0x7FFFFFFF, v20;
	vm2 =	vmmov vm2;
	v13 =	vadd.s32 v13, v9;
	v9, _, _ =	vpop (xrf0)  }
0x94: {  	vm5 =	vmmov vm5;
	vm8 =	vmmov vm3;
	v15 =	vld [tilespmem:s16+$0xFFFFFFB0];
	v16, _, _ =	vpop (xrf0);
	(v2sf) =	vpush v9, $0xF  }
0x95: {  	vm7 =	vmmov vm1;
	v14 =	vld [tilespmem:s16+$0xFFFFFFC0];
	v9 =	vand.u32 $0x7FFFFFFF, v10;
	(v2sf) =	vpush v16, $0xF  }
0x96: {  	vm1 =	vmmov vm6;
	vm6 =	vgt.u32 v9, $0x401CCCCC;
	vm3 =	vgt.u32 v9, $0x3FF33332  }
0x97: {  	v8 =	vand.u32 $0x7FFFFFFF, v8;
	v16, _, _ =	vpop (xrf0);
	vm3 =	vmxor vm6, vm3;
	v10 =	vsel vm6, $0x1, v0  }
0x98: {  	v18 =	vld [tilespmem:s16+$0xFFFFFFD0];
	vm10 =	vgt.u32 v8, $0x401CCCCC;
	(v2sf) =	vpush v16, $0xF;
	v19 =	vsel vm3, $0x1, v0  }
0x99: {  	vm11 =	vgt.u32 v8, $0x3FF33332;
	v16 =	vadd.s32 v10, v13;
	v13 =	vand.u32 $0x7FFFFFFF, v15;
	(xrf0) =	vadd.scan.msk.s32 $0xffff, v19  }
0x9a: {  	v10 =	vand.u32 $0x7FFFFFFF, v14;
	v14 =	vsel vm10, $0x1, v0;
	vm4 =	vmxor vm10, vm11  }
0x9b: {  	s31 =	spop (v2sf);
	vm12 =	vgt.u32 v13, $0x401CCCCC;
	vm6 =	vgt.u32 v13, $0x3FF33332;
	v15 =	vadd.s32 v14, v16  }
0x9c: {  	v14 =	vld [tilespmem:s16+$0xFFFFFFF0];
	s18 =	sadd.s32 s17, s31;
	vm6 =	vmxor vm12, vm6;
	v16 =	vsel vm12, $0x1, v0;
	vm12 =	vgt.u32 v10, $0x401CCCCC  }
0x9d: {  	s17 =	simm.s32 $0x108;
	[tilespmem:s18+$0x2000] =	vst.msk vm9, v12;
	v17 =	vsel vm6, $0x1, v0;
	vm9 =	vgt.u32 v10, $0x3FF33332;
	v12 =	vand.u32 $0x7FFFFFFF, v18;
	s19 =	spop (v2sf)  }
.LBB2_4:
0x9e: {  	s17 =	sadd.s32 $0x8, s17;
	vm9 =	vmxor vm12, vm9;
	vm11 =	vgt.u32 v12, $0x3FF33332;
	vm13 =	vgt.u32 v11, $0x401CCCCC;
	(xrf0) =	vadd.scan.msk.s32 $0xffff, v17;
	s0 =	spop (v2sf)  }
0x9f: {  	v17 =	vsel vm4, $0x1, v0;
	v18 =	vsel vm12, $0x1, v0;
	vm10 =	vgt.u32 v11, $0x3FF33332;
	p0 =	slt.u32 s17, $0x1F8;
	v19, _, _ =	vpop (xrf0);
	s0 =	sadd.s32 s18, s0;
	s18 =	spop (v2sf)  }
0xa0: {  	v15 =	vadd.s32 v16, v15;
	vm10 =	vmxor vm13, vm10;
	v16 =	vld [tilespmem:s16+$0x0];
	(v2sf) =	vpush v19, $0xF;
	[tilespmem:s0+$0x2000] =	vst.msk vm8, v3;
	s0 =	sadd.s32 s0, s19;
	v3 =	vmovc v13  }
0xa1: {  	v14 =	vand.u32 $0x7FFFFFFF, v14;
	v13 =	vsel vm10, $0x1, v0;
	(xrf0) =	vadd.scan.msk.s32 $0xffff, v17;
	[tilespmem:s0+$0x2000] =	vst.msk vm7, v2;
	s19 =	spop (v2sf);
	v2 =	vmovc v10  }
0xa2: {  	vm12 =	vgt.u32 v14, $0x401CCCCC;
	vm7 =	vgt.u32 v12, $0x401CCCCC;
	v10 =	vsel vm13, $0x1, v0;
	(xrf0) =	vadd.scan.msk.s32 $0xffff, v13  }
0xa3: {  	vm13 =	vgt.u32 v14, $0x3FF33332;
	v17 =	vsel vm12, $0x1, v0;
	v13 =	vsel vm9, $0x1, v0;
	s20 =	spop (v2sf)  }
0xa4: {  	v15 =	vadd.s32 v18, v15;
	vm8 =	vmxor vm7, vm11;
	vm11 =	vmxor vm12, vm13;
	s0 =	sadd.s32 s0, s19;
	v18, _, _ =	vpop (xrf0);
	(xrf0) =	vadd.scan.msk.s32 $0xffff, v13;
	s19 =	spop (v2sf)  }
0xa5: {  	v19 =	vsel vm11, $0x1, v0;
	v13 =	vsel vm8, $0x1, v0;
	(v2sf) =	vpush v18, $0xF;
	[tilespmem:s0+$0x2000] =	vst.msk vm5, v5;
	s0 =	sadd.s32 s0, s19;
	v5 =	vmovc v12  }
0xa6: {  	v12 =	vsel vm7, $0x1, v0;
	v16 =	vand.u32 $0x7FFFFFFF, v16;
	(xrf0) =	vadd.scan.msk.s32 $0xffff, v19;
	[tilespmem:s0+$0x2000] =	vst.msk vm2, v4;
	s0 =	sadd.s32 s0, s18;
	v4 =	vmovc v11  }
0xa7: {  	vm2 =	vgt.u32 v16, $0x401CCCCC;
	vm5 =	vgt.u32 v16, $0x3FF33332;
	v11, _, _ =	vpop (xrf0);
	(xrf0) =	vadd.scan.msk.s32 $0xffff, v13;
	[tilespmem:s0+$0x2000] =	vst.msk vm1, v6;
	s0 =	sadd.s32 s0, s20;
	s18 =	spop (v2sf)  }
0xa8: {  	s16 =	sadd.s32 $0x80, s16;
	v13 =	vadd.s32 v12, v15;
	(v2sf) =	vpush v11, $0xF;
	v11, _, _ =	vpop (xrf0);
	[tilespmem:s0+$0x2000] =	vst.msk vm0, v7;
	vm0 =	vmxor vm2, vm5;
	s0 =	sadd.s32 s0, s18  }
0xa9: {  	v6 =	vmovc v14;
	v7 =	vmovc v16;
	v12 =	vld [tilespmem:s16+$0xFFFFFF90];
	[tilespmem:s0+$0x2000] =	vst.msk vm3, v9;
	v9 =	vadd.s32 v10, v13;
	v10 =	vsel vm0, $0x1, v0;
	(v2sf) =	vpush v11, $0xF  }
0xaa: {  	vm7 =	vmmov vm9;
	v13 =	vsel vm2, $0x1, v0;
	v11 =	vld [tilespmem:s16+$0xFFFFFFA0];
	v15 =	vadd.s32 v17, v9;
	v14, _, _ =	vpop (xrf0);
	(xrf0) =	vadd.scan.msk.s32 $0xffff, v10  }
0xab: {  	vm2 =	vmmov vm10;
	v10 =	vld [tilespmem:s16+$0xFFFFFFB0];
	v13 =	vadd.s32 v13, v15;
	(v2sf) =	vpush v14, $0xF  }
0xac: {  	vm1 =	vmmov vm11;
	vm5 =	vmmov vm8;
	vm8 =	vmmov vm6;
	v14 =	vld [tilespmem:s16+$0xFFFFFFC0];
	v9, _, _ =	vpop (xrf0)  }
0xad: {  	v15, _, _ =	vpop (xrf0);
	(v2sf) =	vpush v9, $0xF  }
0xae: {  	v9 =	vand.u32 $0x7FFFFFFF, v12;
	v12 =	vld [tilespmem:s16+$0xFFFFFFD0];
	(v2sf) =	vpush v15, $0xF  }
0xaf: {  	vm6 =	vgt.u32 v9, $0x401CCCCC;
	vm3 =	vgt.u32 v9, $0x3FF33332;
	v11 =	vand.u32 $0x7FFFFFFF, v11;
	s18 =	spop (v2sf)  }
0xb0: {  	vm3 =	vmxor vm6, vm3;
	v15 =	vsel vm6, $0x1, v0;
	vm9 =	vgt.u32 v11, $0x401CCCCC;
	s18 =	sadd.s32 s0, s18;
	v16, _, _ =	vpop (xrf0)  }
0xb1: {  	vm10 =	vgt.u32 v11, $0x3FF33332;
	v17 =	vsel vm3, $0x1, v0;
	v18 =	vld [tilespmem:s16+$0xFFFFFFE0];
	[tilespmem:s18+$0x2000] =	vst.msk vm4, v8;
	(v2sf) =	vpush v16, $0xF;
	v8 =	vmovc v11  }
.Ltmp1:
0xb2: {  	v11 =	vadd.s32 v15, v13;
	v13 =	vand.u32 $0x7FFFFFFF, v10;
	v10 =	vand.u32 $0x7FFFFFFF, v14;
	v14 =	vld [tilespmem:s16+$0xFFFFFFF0];
	(xrf0) =	vadd.scan.msk.s32 $0xffff, v17;
	(pc) =	sbr.rel @p0 .LBB2_4-.Ltmp1, $4  }
0xb3: {  	v15 =	vsel vm9, $0x1, v0;
	vm4 =	vgt.u32 v13, $0x401CCCCC;
	vm6 =	vgt.u32 v13, $0x3FF33332  }
0xb4: {  	v15 =	vadd.s32 v15, v11;
	vm6 =	vmxor vm4, vm6;
	v16 =	vsel vm4, $0x1, v0;
	s19 =	spop (v2sf)  }
0xb5: {  	vm4 =	vmxor vm9, vm10;
	vm9 =	vgt.u32 v10, $0x3FF33332;
	v17 =	vsel vm6, $0x1, v0  }
0xb6: {  	vm12 =	vgt.u32 v10, $0x401CCCCC;
	v12 =	vand.u32 $0x7FFFFFFF, v12;
	v11 =	vand.u32 $0x7FFFFFFF, v18  }
0xb7: {  	vm10 =	vmxor vm12, vm9;
	vm11 =	vgt.u32 v11, $0x401CCCCC;
	vm9 =	vgt.u32 v11, $0x3FF33332  }
0xb8: {  	vm13 =	vgt.u32 v12, $0x3FF33332;
	v18 =	vsel vm4, $0x1, v0;
	v20 =	vsel vm12, $0x1, v0  }
0xb9: {  	v19 =	vld [tilespmem:s16+$0x0];
	v15 =	vadd.s32 v16, v15;
	v14 =	vand.u32 $0x7FFFFFFF, v14;
	vm14 =	vgt.u32 v12, $0x401CCCCC  }
0xba: {  	(xrf0) =	vadd.scan.msk.s32 $0xffff, v17;
	vm9 =	vmxor vm11, vm9;
	v48 =	vsel vm11, $0x1, v0;
	vm15 =	vgt.u32 v14, $0x401CCCCC  }
0xbb: {  	(xrf0) =	vadd.scan.msk.s32 $0xffff, v18;
	v49 =	vsel vm10, $0x1, v0;
	vm11 =	vgt.u32 v14, $0x3FF33332;
	v47 =	vsel vm9, $0x1, v0  }
0xbc: {  	v15 =	vadd.s32 v20, v15;
	vm12 =	vmxor vm14, vm13;
	vm11 =	vmxor vm15, vm11;
	(xrf0) =	vadd.scan.msk.s32 $0xffff, v47  }
0xbd: {  	v52 =	vsel vm14, $0x1, v0;
	v50 =	vsel vm12, $0x1, v0;
	v51 =	vsel vm11, $0x1, v0;
	(xrf0) =	vadd.scan.msk.s32 $0xffff, v49  }
0xbe: {  	v53 =	vsel vm15, $0x1, v0;
	v15 =	vadd.s32 v52, v15;
	v19 =	vand.u32 $0x7FFFFFFF, v19;
	(xrf0) =	vadd.scan.msk.s32 $0xffff, v51  }
0xbf: {  	v21, _, _ =	vpop (xrf0);
	v15 =	vadd.s32 v48, v15;
	vm14 =	vgt.u32 v19, $0x401CCCCC;
	vm13 =	vgt.u32 v19, $0x3FF33332;
	(xrf0) =	vadd.scan.msk.s32 $0xffff, v50  }
0xc0: {  	(v2sf) =	vpush v21, $0xF;
	v15 =	vadd.s32 v53, v15;
	v54, _, _ =	vpop (xrf0);
	vm13 =	vmxor vm14, vm13  }
0xc1: {  	v55 =	vsel vm14, $0x1, v0;
	v56, _, _ =	vpop (xrf0);
	(v2sf) =	vpush v54, $0xF;
	v57 =	vsel vm13, $0x1, v0  }
0xc2: {  	(v2sf) =	vpush v56, $0xF;
	v15 =	vadd.s32 v55, v15;
	v58, _, _ =	vpop (xrf0);
	(xrf0) =	vadd.scan.msk.s32 $0xffff, v57  }
0xc3: {  	(v2sf) =	vpush v58, $0xF;
	v59, _, _ =	vpop (xrf0);
	(xrf0) =	vadd.scan.msk.s32 $0xffff, v15  }
0xc4: {  	(v2sf) =	vpush v59, $0xF;
	v60, _, _ =	vpop (xrf0)  }
0xc5: {  	v61, _, _ =	vpop (xrf0);
	(v2sf) =	vpush v60, $0xF  }
0xc6: {  	(v2sf) =	vpush v61, $0xF;
	_ =	sdelay $0x1  }
0xc7: {  	v62, _, _ =	vpop (xrf0)  }
0xc8: {  	s0 =	spop (v2sf);
	(v2sf) =	vpush v62, $0xF;
	v63, _, _ =	vpop (xrf0)  }
0xc9: {  	s26 =	spop (v2sf);
	(v2sf) =	vpush v63, $0xF  }
0xca: {  	s0 =	sadd.s32 s18, s0;
	s17 =	spop (v2sf)  }
0xcb: {  	s19 =	sadd.s32 s0, s19;
	s28 =	spop (v2sf)  }
0xcc: {  	s17 =	sadd.s32 s19, s17;
	s20 =	spop (v2sf)  }
0xcd: {  	s20 =	sadd.s32 s17, s20;
	s21 =	spop (v2sf)  }
0xce: {  	s16 =	sadd.s32 s20, s26;
	s22 =	spop (v2sf)  }
0xcf: {  	s18 =	sadd.s32 s16, s28;
	s29 =	spop (v2sf)  }
0xd0: {  	s30 =	sadd.s32 s18, s21;
	s31 =	spop (v2sf)  }
0xd1: {  	s22 =	sadd.s32 s30, s22;
	s24 =	spop (v2sf)  }
0xd2: {  	s25 =	sadd.s32 s22, s31;
	s26 =	spop (v2sf)  }
0xd3: {  	[tilespmem:s0+$0x2000] =	vst.msk vm8, v3;
	s0 =	sadd.s32 s25, s29;
	s28 =	spop (v2sf)  }
0xd4: {  	[tilespmem:s19+$0x2000] =	vst.msk vm7, v2;
	s21 =	sadd.s32 s0, s26;
	s29 =	spop (v2sf)  }
0xd5: {  	[tilespmem:s17+$0x2000] =	vst.msk vm5, v5;
	s23 =	sadd.s32 s21, s29  }
0xd6: {  	[tilespmem:s30+$0x2000] =	vst.msk vm3, v9;
	s30 =	sadd.s32 s23, s24  }
0xd7: {  	[tilespmem:s16+$0x2000] =	vst.msk vm1, v6;
	s16 =	sadd.s32 s30, s28;
	s31 =	spop (v2sf)  }
0xd8: {  	vm10 =	vmmov vm10;
	[tilespmem:s18+$0x2000] =	vst.msk vm0, v7;
	s19 =	sadd.s32 s16, s31;
	s18 =	spop (v2sf)  }
0xd9: {  	[tilespmem:s0+$0x2000] =	vst.msk vm10, v10;
	s0 =	sadd.s32 s19, s18;
	p0 =	sgt.s32 s18, $0xFF  }
0xda: {  	[tilespmem:s20+$0x2000] =	vst.msk vm2, v4;
	p1 =	sgt.s32 @!p0 s0, $0xFF  }
0xdb: {  	vm8 =	vmmov vm6;
	[tilespmem:s22+$0x2000] =	vst.msk vm4, v8;
	p1 =	por p0, !p1  }
.Ltmp2:
0xdc: {  	vm12 =	vmmov vm12;
	[tilespmem:s25+$0x2000] =	vst.msk vm8, v13;
	(pc) =	sbr.rel @p1 .LBB2_7-.Ltmp2, $4  }
0xdd: {  	vm14 =	vmmov vm9;
	[tilespmem:s21+$0x2000] =	vst.msk vm12, v12  }
0xde: {  	vm15 =	vmmov vm11;
	[tilespmem:s23+$0x2000] =	vst.msk vm14, v11  }
0xdf: {  	[tilespmem:s30+$0x2000] =	vst.msk vm15, v14  }
0xe0: {  	s17 =	simm.s32 $0x401CCCCD;
	[tilespmem:s16+$0x2000] =	vst.msk vm13, v19  }
.Ltmp3:
0xe1: {  	(pc) =	sbr.rel .LBB2_10-.Ltmp3, $3  }
0xe2: {  	_ =	sdelay $0x1  }
0xe3: {  	s20 =	smov.u32 s19  }
0xe4: {  	s16 =	simm.s32 $0x3FF33333;
	s22 =	simm.s32 $0x0;
	s19 =	simm.s32 $0x0  }
.LBB2_7:
0xe5: {  	s0 =	simm.s32 $0x0  }
0xe6: {  	v4 =	vld [tilespmem:s0+$0x0];
	_ =	sdelay $0x2  }
0xe7: {  	s16 =	simm.s32 $0x401CCCCD;
	s17 =	simm.s32 $0x7F800001  }
0xe8: {  	s16 =	simm.s32 @!p0 $0x0;
	s17 =	simm.s32 @!p0 $0x3FF33333  }
0xe9: {  	v2 =	vmov s16;
	v3 =	vmov s17;
	v4 =	vand.u32 $0x7FFFFFFF, v4  }
0xea: {  	vm0 =	vge.u32 v4, v2;
	vm1 =	vlt.u32 v4, v3  }
0xeb: {  	vm0 =	vmand vm0, vm1  }
0xec: {  	v5 =	vsel vm0, $0x1, v0  }
0xed: {  	(xrf0) =	vadd.scan.msk.s32 $0xffff, v5;
	_ =	sdelay $0x5  }
0xee: {  	s20 =	simm.s32 $0x0;
	v5, _, _ =	vpop (xrf0)  }
0xef: {  	s21 =	simm.s32 $0x80;
	s0 =	simm.s32 $0x10;
	[tilespmem:s20+$0x4020] =	vst.msk vm0, v4;
	(v2sf) =	vpush v5, $0xF  }
.LBB2_8:
0xf0: {  	p1 =	sne.s32 s21, $0x7FC0;
	v4 =	vld [tilespmem:s0+$0x0];
	_ =	sdelay $0x4  }
0xf1: {  	v4 =	vand.u32 $0x7FFFFFFF, v4  }
0xf2: {  	vm0 =	vge.u32 v4, v2;
	vm1 =	vlt.u32 v4, v3  }
0xf3: {  	vm0 =	vmand vm0, vm1  }
0xf4: {  	v5 =	vsel vm0, $0x1, v0  }
0xf5: {  	(xrf0) =	vadd.scan.msk.s32 $0xffff, v5;
	_ =	sdelay $0x2  }
.Ltmp4:
0xf6: {  	(pc) =	sbr.rel @p1 .LBB2_8-.Ltmp4, $4  }
0xf7: {  	_ = 	snop  }
0xf8: {  	s0 =	spop (v2sf)  }
0xf9: {  	v5, _, _ =	vpop (xrf0);
	s20 =	sadd.s32 s20, s0  }
0xfa: {  	s0 =	sshra.s32 s21, $0x2;
	s21 =	sadd.s32 $0x40, s21;
	[tilespmem:s20+$0x4020] =	vst.msk vm0, v4;
	(v2sf) =	vpush v5, $0xF  }
0xfb: {  	v4 =	vld [tilespmem:s0+$0x0];
	_ =	sdelay $0x4  }
0xfc: {  	v4 =	vand.u32 $0x7FFFFFFF, v4  }
0xfd: {  	vm0 =	vge.u32 v4, v2;
	vm1 =	vlt.u32 v4, v3  }
0xfe: {  	vm0 =	vmand vm0, vm1  }
0xff: {  	v2 =	vsel vm0, $0x1, v0  }
0x100: {  	(xrf0) =	vadd.scan.msk.s32 $0xffff, v2;
	_ =	sdelay $0x5  }
0x101: {  	v2, _, _ =	vpop (xrf0)  }
0x102: {  	(v2sf) =	vpush v2, $0xF;
	_ =	sdelay $0xd  }
0x103: {  	s30 =	spop (v2sf)  }
0x104: {  	s0 =	sadd.s32 s20, s30;
	s31 =	spop (v2sf)  }
0x105: {  	s22 =	simm.s32 $0x2020;
	[tilespmem:s0+$0x4020] =	vst.msk vm0, v4;
	s20 =	sadd.s32 s0, s31  }
.LBB2_10:
0x106: {  	s24 =	ssub.s32 s17, s16  }
0x107: {  	p1 =	slt.s32 s24, $0x2  }
.Ltmp5:
0x108: {  	_ = 	snop;
	(pc) =	sbr.rel @p1 .LBB2_11-.Ltmp5, $1  }
0x109: {  	_ =	sdelay $0x3  }
.Ltmp6:
0x10a: {  	(pc) =	sbr.rel .LBB2_19-.Ltmp6, $4  }
0x10b: {  	_ = 	snop  }
0x10c: {  	s0 =	sadd.s32 s19, s18  }
0x10d: {  	s18 =	ssub.s32 $0x100, s0  }
0x10e: {  	s18 =	simm.s32 @p0 $0x100  }
.LBB2_28:
0x10f: {  	s26 =	simm.s32 $0x0;
	s20 =	simm.s32 $0x0  }
0x110: {  	s26 =	simm.s32 @p4 $0x0;
	s20 =	simm.s32 @p4 $0x0  }
.LBB2_35:
0x111: {  	v2 =	vld [tilespmem:s25+$0x6080];
	_ =	sdelay $0x3  }
0x112: {  	v3 =	vmov s21  }
0x113: {  	vm0 =	vgt.s32 v3, v1;
	v3 =	vxor.u32 $0x80000000, v2  }
0x114: {  	(xrf1) =	vsort.dscd.msk.u32 vm0, v3, v2;
	_ =	sdelay $0x9  }
0x115: {  	s23 =	simm.s32 @p3 $0x0  }
0x116: {  	s23 =	simm.s32 @p0 $0x0  }
0x117: {  	s18 =	ssub.s32 s18, s23  }
0x118: {  	s0 =	sadd.s32 $0xFFFFFFFF, s18  }
0x119: {  	v3 =	vmov s0;
	v2, _, _ =	vpop (xrf1)  }
0x11a: {  	vm15 =	veq.s32 v3, v1;
	v2 =	vxor.u32 $0x80000000, v2  }
0x11b: {  	v2 =	vnsel vm15, $0x0, v2  }
0x11c: {  	(xrf0) =	vadd.scan.msk.s32 $0xffff, v2;
	_ =	sdelay $0x5  }
0x11d: {  	v2, _, _ =	vpop (xrf0)  }
0x11e: {  	(v2sf) =	vpush v2, $0xF;
	_ =	sdelay $0xd  }
0x11f: {  	p0 =	sge.s32 s26, s18;
	s0 =	smov.u32 s16  }
0x120: {  	s0 =	smov.u32 @p0 s17;
	s22 =	spop (v2sf)  }
0x121: {  	s17 =	smov.u32 @p0 s19;
	s0 =	smov.u32 @p2 s22;
	s22 =	sadd.s32 $0x1, s22  }
0x122: {  	p3 =	slt.s32 s24, $0x2;
	s17 =	smov.u32 @p2 s22  }
0x123: {  	s20 =	smov.u32 @p0 s26;
	s0 =	smov.u32 @p3 s16;
	s17 =	smov.u32 @p3 s19  }
0x124: {  	s16 =	smov.u32 s26;
	s22 =	simm.s32 $0x0;
	s24 =	ssub.s32 s17, s0  }
0x125: {  	s16 =	simm.s32 @p0 $0x0;
	s22 =	simm.s32 @!p0 $0x2020;
	p0 =	sgt.s32 s24, $0x1  }
.Ltmp7:
0x126: {  	_ = 	snop;
	(pc) =	sbr.rel @!p0 .LBB2_12-.Ltmp7, $4  }
0x127: {  	_ = 	snop  }
0x128: {  	p1 =	por p1, p3  }
0x129: {  	s20 =	smov.u32 @p1 s21;
	s16 =	simm.s32 @p1 $0x0  }
0x12a: {  	s22 =	smov.u32 @p1 s25;
	s18 =	ssub.s32 s18, s16;
	s16 =	smov.u32 s0  }
.LBB2_19:
0x12b: {  	s0 =	sadd.s32 $0xF, s20  }
0x12c: {  	s19 =	sand.u32 $0xF, s0  }
0x12d: {  	s30 =	sshra.s32 s0, $0x1F;
	p1 =	slt.s32 s0, $0x1;
	p0 =	sne.s32 s19, $0x0  }
0x12e: {  	s19 =	sshrl.u32 s30, $0x1C;
	p0 =	por !p1, !p0  }
0x12f: {  	s0 =	sadd.s32 s19, s0;
	s19 =	simm.s32 $0x1;
	p0 =	por !p0, !p0  }
0x130: {  	s0 =	sshra.s32 s0, $0x4;
	s19 =	simm.s32 @!p0 $0x0  }
0x131: {  	p0 =	slt.s32 s20, $0x11;
	s23 =	ssub.s32 s0, s19  }
0x132: {  	p1 =	slt.s32 @!p0 s23, $0x1  }
0x133: {  	p1 =	por p0, p1  }
.Ltmp8:
0x134: {  	_ = 	snop;
	(pc) =	sbr.rel @p1 .LBB2_20-.Ltmp8, $3  }
0x135: {  	_ =	sdelay $0x1  }
0x136: {  	s31 =	sshrl.u32 s24, $0x1  }
0x137: {  	s19 =	sadd.s32 s16, s31  }
0x138: {  	s0 =	sadd.s32 $0x2000, s22  }
0x139: {  	v2 =	vld [tilespmem:s0+$0x0];
	_ =	sdelay $0x3  }
0x13a: {  	v3 =	vmov s19;
	v4 =	vmov s20;
	p2 =	sgt.s32 s23, $0x1  }
.Ltmp9:
0x13b: {  	vm0 =	vgt.s32 v4, v1;
	vm1 =	vge.s32 v2, v3;
	(pc) =	sbr.rel @!p2 .LBB2_22-.Ltmp9, $4  }
0x13c: {  	vm2 =	vlt.s32 v2, v3;
	vm1 =	vmand vm0, vm1  }
0x13d: {  	vm0 =	vmand vm0, vm2;
	v4 =	vsel vm1, $0x1, v0  }
0x13e: {  	v5 =	vsel vm0, $0x1, v0;
	(xrf0) =	vadd.scan.msk.s32 $0xffff, v4  }
0x13f: {  	s21 =	simm.s32 $0x0;
	p1 =	por $0x0, $0x0;
	(xrf0) =	vadd.scan.msk.s32 $0xffff, v5  }
0x140: {  	_ =	sdelay $0x3  }
0x141: {  	v4, _, _ =	vpop (xrf0)  }
0x142: {  	(v2sf) =	vpush v4, $0xF;
	_ =	sdelay $0xd  }
0x143: {  	[tilespmem:s21+$0x6080] =	vst.msk vm1, v2;
	v5, _, _ =	vpop (xrf0)  }
0x144: {  	s24 =	sadd.s32 $0x10, s0;
	[tilespmem:s21+$0x80A0] =	vst.msk vm0, v2;
	s30 =	spop (v2sf);
	(v2sf) =	vpush v5, $0xF  }
0x145: {  	v2 =	vld [tilespmem:s24+$0x0];
	_ =	sdelay $0x2  }
0x146: {  	s25 =	sadd.s32 $0xFFFFFFF0, s20  }
0x147: {  	v4 =	vmov s25  }
0x148: {  	vm0 =	vgt.s32 v4, v1;
	vm1 =	vge.s32 v2, v3  }
0x149: {  	vm2 =	vlt.s32 v2, v3;
	vm1 =	vmand vm0, vm1  }
0x14a: {  	vm0 =	vmand vm0, vm2;
	v4 =	vsel vm1, $0x1, v0  }
0x14b: {  	p2 =	sgt.s32 s23, $0x2;
	(xrf0) =	vadd.scan.msk.s32 $0xffff, v4;
	v4 =	vsel vm0, $0x1, v0  }
.Ltmp10:
0x14c: {  	(xrf0) =	vadd.scan.msk.s32 $0xffff, v4;
	(pc) =	sbr.rel @!p2 .LBB2_24-.Ltmp10, $3  }
0x14d: {  	_ =	sdelay $0x1  }
0x14e: {  	s29 =	simm.s32 $0x2  }
0x14f: {  	p1 =	por $0x1, $0x1;
	s26 =	simm.s32 $0x0;
	s28 =	simm.s32 $0x0  }
.LBB2_25:
0x150: {  	s29 =	sadd.s32 $0x1, s29;
	v4, _, _ =	vpop (xrf0);
	s26 =	sadd.s32 s26, s30;
	s0 =	spop (v2sf)  }
0x151: {  	p2 =	sgt.s32 s23, s29;
	[tilespmem:s26+$0x6080] =	vst.msk vm1, v2;
	(v2sf) =	vpush v4, $0xF;
	v4, _, _ =	vpop (xrf0);
	s28 =	sadd.s32 s28, s0  }
0x152: {  	s24 =	sadd.s32 $0x10, s24;
	[tilespmem:s28+$0x80A0] =	vst.msk vm0, v2;
	(v2sf) =	vpush v4, $0xF  }
0x153: {  	v2 =	vld [tilespmem:s24+$0x0];
	_ =	sdelay $0x2  }
0x154: {  	s25 =	sadd.s32 $0xFFFFFFF0, s25  }
0x155: {  	v4 =	vmov s25  }
0x156: {  	vm0 =	vgt.s32 v4, v1;
	vm1 =	vge.s32 v2, v3;
	vm2 =	vlt.s32 v2, v3  }
0x157: {  	vm1 =	vmand vm0, vm1;
	vm0 =	vmand vm0, vm2  }
0x158: {  	v4 =	vsel vm1, $0x1, v0;
	v5 =	vsel vm0, $0x1, v0  }
0x159: {  	(xrf0) =	vadd.scan.msk.s32 $0xffff, v4  }
.Ltmp11:
0x15a: {  	(xrf0) =	vadd.scan.msk.s32 $0xffff, v5;
	(pc) =	sbr.rel @p2 .LBB2_25-.Ltmp11, $2  }
0x15b: {  	_ =	sdelay $0x2  }
0x15c: {  	s30 =	spop (v2sf)  }
.LBB2_26:
0x15d: {  	v3, _, _ =	vpop (xrf0)  }
0x15e: {  	(v2sf) =	vpush v3, $0xF;
	v3, _, _ =	vpop (xrf0)  }
0x15f: {  	(v2sf) =	vpush v3, $0xF;
	_ =	sdelay $0xb  }
.Ltmp12:
0x160: {  	_ = 	snop;
	(pc) =	sbr.rel .LBB2_27-.Ltmp12, $4  }
0x161: {  	s0 =	spop @p1 (v2sf);
	s23 =	sadd.s32 @p1 s26, s30;
	s24 =	simm.s32 $0x0  }
0x162: {  	s24 =	smov.u32 @p1 s23;
	s0 =	sadd.s32 @p1 s28, s0;
	s30 =	spop (v2sf)  }
0x163: {  	[tilespmem:s24+$0x6080] =	vst.msk vm1, v2;
	s21 =	smov.u32 @p1 s0;
	s31 =	spop (v2sf)  }
0x164: {  	[tilespmem:s21+$0x80A0] =	vst.msk vm0, v2;
	s23 =	sadd.s32 s24, s30;
	s21 =	sadd.s32 s21, s31  }
.LBB2_20:
0x165: {  	s23 =	simm.s32 $0x0;
	s21 =	simm.s32 $0x0  }
0x166: {  	s23 =	simm.s32 @p0 $0x0;
	s21 =	simm.s32 @p0 $0x0  }
.LBB2_27:
0x167: {  	v2 =	vld [tilespmem:s22+$0x2000];
	_ =	sdelay $0x3  }
0x168: {  	v3 =	vmov s20  }
0x169: {  	vm0 =	vgt.s32 v3, v1;
	v3 =	vxor.u32 $0x80000000, v2  }
0x16a: {  	(xrf1) =	vsort.dscd.msk.u32 vm0, v3, v2;
	_ =	sdelay $0xc  }
0x16b: {  	s0 =	sadd.s32 $0xFFFFFFFF, s18  }
0x16c: {  	v3 =	vmov s0;
	v2, _, _ =	vpop (xrf1)  }
0x16d: {  	vm15 =	veq.s32 v3, v1;
	v2 =	vxor.u32 $0x80000000, v2  }
0x16e: {  	v2 =	vnsel vm15, $0x0, v2  }
0x16f: {  	(xrf0) =	vadd.scan.msk.s32 $0xffff, v2;
	_ =	sdelay $0x5  }
0x170: {  	v2, _, _ =	vpop (xrf0)  }
0x171: {  	(v2sf) =	vpush v2, $0xF;
	_ =	sdelay $0xb  }
0x172: {  	p3 =	sge.s32 s23, s18  }
0x173: {  	s16 =	smov.u32 @p3 s19;
	s21 =	smov.u32 @p3 s23  }
0x174: {  	s19 =	smov.u32 @p3 s17;
	s21 =	smov.u32 @p0 s20;
	s20 =	simm.s32 $0x1  }
0x175: {  	p1 =	slt.s32 s21, $0x11;
	s29 =	sadd.s32 $0xF, s21;
	s0 =	spop (v2sf)  }
0x176: {  	s30 =	sand.u32 $0xF, s29;
	s16 =	smov.u32 @p0 s0;
	s0 =	sadd.s32 $0x1, s0  }
0x177: {  	s25 =	sshra.s32 s29, $0x1F;
	p6 =	slt.s32 s29, $0x1;
	s19 =	smov.u32 @p0 s0  }
0x178: {  	p5 =	sne.s32 s30, $0x0;
	s25 =	sshrl.u32 s25, $0x1C;
	s24 =	ssub.s32 s19, s16  }
0x179: {  	s17 =	sadd.s32 s25, s29;
	s0 =	simm.s32 $0x1;
	p4 =	sgt.s32 s24, $0x1  }
0x17a: {  	p2 =	por !p1, !p4;
	s0 =	simm.s32 @!p4 $0x0;
	p4 =	por !p6, !p5  }
0x17b: {  	s25 =	simm.s32 $0x1;
	p2 =	por !p2, !p2;
	p4 =	por !p4, !p4  }
0x17c: {  	s17 =	sshra.s32 s17, $0x4;
	s20 =	simm.s32 @!p2 $0x0;
	s25 =	simm.s32 @!p4 $0x0  }
0x17d: {  	p4 =	seq.s32 s0, s20;
	s26 =	ssub.s32 s17, s25  }
0x17e: {  	p5 =	slt.s32 @!p4 s26, $0x1  }
0x17f: {  	p5 =	por p4, p5  }
.Ltmp13:
0x180: {  	_ = 	snop;
	(pc) =	sbr.rel @p5 .LBB2_28-.Ltmp13, $4  }
0x181: {  	_ = 	snop  }
0x182: {  	s25 =	simm.s32 $0x0  }
0x183: {  	s31 =	sshra.s32 s24, $0x1;
	s25 =	simm.s32 @!p3 $0x2020  }
0x184: {  	s17 =	sadd.s32 s16, s31;
	s25 =	smov.u32 @p0 s22  }
0x185: {  	s0 =	sadd.s32 $0x6080, s25  }
0x186: {  	v2 =	vld [tilespmem:s0+$0x0];
	_ =	sdelay $0x3  }
0x187: {  	v3 =	vmov s17;
	v4 =	vmov s21;
	p5 =	sgt.s32 s26, $0x1  }
.Ltmp14:
0x188: {  	vm0 =	vgt.s32 v4, v1;
	vm1 =	vge.s32 v2, v3;
	(pc) =	sbr.rel @!p5 .LBB2_30-.Ltmp14, $4  }
0x189: {  	vm2 =	vlt.s32 v2, v3;
	vm1 =	vmand vm0, vm1  }
0x18a: {  	vm0 =	vmand vm0, vm2;
	v4 =	vsel vm1, $0x1, v0  }
0x18b: {  	v5 =	vsel vm0, $0x1, v0;
	(xrf0) =	vadd.scan.msk.s32 $0xffff, v4  }
0x18c: {  	s20 =	simm.s32 $0x0;
	p4 =	por $0x0, $0x0;
	(xrf0) =	vadd.scan.msk.s32 $0xffff, v5  }
0x18d: {  	_ =	sdelay $0x3  }
0x18e: {  	v4, _, _ =	vpop (xrf0)  }
0x18f: {  	(v2sf) =	vpush v4, $0xF;
	_ =	sdelay $0xd  }
0x190: {  	[tilespmem:s20+$0x2000] =	vst.msk vm1, v2;
	v5, _, _ =	vpop (xrf0)  }
0x191: {  	s22 =	sadd.s32 $0x10, s0;
	[tilespmem:s20+$0x4020] =	vst.msk vm0, v2;
	s0 =	spop (v2sf);
	(v2sf) =	vpush v5, $0xF  }
0x192: {  	v2 =	vld [tilespmem:s22+$0x0];
	_ =	sdelay $0x2  }
0x193: {  	s28 =	sadd.s32 $0xFFFFFFF0, s21  }
0x194: {  	v4 =	vmov s28  }
0x195: {  	vm0 =	vgt.s32 v4, v1;
	vm1 =	vge.s32 v2, v3  }
0x196: {  	vm2 =	vlt.s32 v2, v3;
	vm1 =	vmand vm0, vm1  }
0x197: {  	vm0 =	vmand vm0, vm2;
	v4 =	vsel vm1, $0x1, v0  }
0x198: {  	p5 =	sgt.s32 s26, $0x2;
	(xrf0) =	vadd.scan.msk.s32 $0xffff, v4;
	v4 =	vsel vm0, $0x1, v0  }
.Ltmp15:
0x199: {  	(xrf0) =	vadd.scan.msk.s32 $0xffff, v4;
	(pc) =	sbr.rel @!p5 .LBB2_32-.Ltmp15, $3  }
0x19a: {  	_ =	sdelay $0x1  }
0x19b: {  	s31 =	simm.s32 $0x2  }
0x19c: {  	p4 =	por $0x1, $0x1;
	s29 =	simm.s32 $0x0;
	s30 =	simm.s32 $0x0  }
.LBB2_33:
0x19d: {  	s31 =	sadd.s32 $0x1, s31;
	v4, _, _ =	vpop (xrf0);
	s29 =	sadd.s32 s29, s0;
	s0 =	spop (v2sf)  }
0x19e: {  	p5 =	sgt.s32 s26, s31;
	[tilespmem:s29+$0x2000] =	vst.msk vm1, v2;
	(v2sf) =	vpush v4, $0xF;
	v4, _, _ =	vpop (xrf0);
	s30 =	sadd.s32 s30, s0  }
0x19f: {  	s22 =	sadd.s32 $0x10, s22;
	[tilespmem:s30+$0x4020] =	vst.msk vm0, v2;
	(v2sf) =	vpush v4, $0xF  }
0x1a0: {  	v2 =	vld [tilespmem:s22+$0x0];
	_ =	sdelay $0x2  }
0x1a1: {  	s28 =	sadd.s32 $0xFFFFFFF0, s28  }
0x1a2: {  	v4 =	vmov s28  }
0x1a3: {  	vm0 =	vgt.s32 v4, v1;
	vm1 =	vge.s32 v2, v3;
	vm2 =	vlt.s32 v2, v3  }
0x1a4: {  	vm1 =	vmand vm0, vm1;
	vm0 =	vmand vm0, vm2  }
0x1a5: {  	v4 =	vsel vm1, $0x1, v0;
	v5 =	vsel vm0, $0x1, v0  }
0x1a6: {  	(xrf0) =	vadd.scan.msk.s32 $0xffff, v4  }
.Ltmp16:
0x1a7: {  	(xrf0) =	vadd.scan.msk.s32 $0xffff, v5;
	(pc) =	sbr.rel @p5 .LBB2_33-.Ltmp16, $2  }
0x1a8: {  	_ =	sdelay $0x2  }
0x1a9: {  	s0 =	spop (v2sf)  }
.LBB2_34:
0x1aa: {  	v3, _, _ =	vpop (xrf0)  }
0x1ab: {  	(v2sf) =	vpush v3, $0xF;
	v3, _, _ =	vpop (xrf0)  }
0x1ac: {  	(v2sf) =	vpush v3, $0xF;
	_ =	sdelay $0xb  }
.Ltmp17:
0x1ad: {  	_ = 	snop;
	(pc) =	sbr.rel .LBB2_35-.Ltmp17, $4  }
0x1ae: {  	s22 =	spop @p4 (v2sf);
	s0 =	sadd.s32 @p4 s29, s0;
	s26 =	simm.s32 $0x0  }
0x1af: {  	s26 =	smov.u32 @p4 s0;
	s0 =	sadd.s32 @p4 s30, s22;
	s30 =	spop (v2sf)  }
0x1b0: {  	[tilespmem:s26+$0x2000] =	vst.msk vm1, v2;
	s20 =	smov.u32 @p4 s0;
	s31 =	spop (v2sf)  }
0x1b1: {  	[tilespmem:s20+$0x4020] =	vst.msk vm0, v2;
	s26 =	sadd.s32 s26, s30;
	s20 =	sadd.s32 s20, s31  }
.LBB2_22:
.Ltmp18:
0x1b2: {  	(pc) =	sbr.rel .LBB2_26-.Ltmp18, $2  }
0x1b3: {  	_ =	sdelay $0x2  }
0x1b4: {  	s26 =	simm.s32 $0x0;
	s28 =	simm.s32 $0x0  }
.LBB2_30:
.Ltmp19:
0x1b5: {  	(pc) =	sbr.rel .LBB2_34-.Ltmp19, $2  }
0x1b6: {  	_ =	sdelay $0x2  }
0x1b7: {  	s29 =	simm.s32 $0x0;
	s30 =	simm.s32 $0x0  }
.LBB2_24:
.Ltmp20:
0x1b8: {  	(pc) =	sbr.rel .LBB2_26-.Ltmp20, $2  }
0x1b9: {  	_ =	sdelay $0x2  }
0x1ba: {  	s26 =	simm.s32 $0x0;
	s28 =	simm.s32 $0x0  }
.LBB2_32:
.Ltmp21:
0x1bb: {  	(pc) =	sbr.rel .LBB2_34-.Ltmp21, $2  }
0x1bc: {  	_ =	sdelay $0x2  }
0x1bd: {  	s29 =	simm.s32 $0x0;
	s30 =	simm.s32 $0x0  }
.LBB2_11:
0x1be: {  	s0 =	smov.u32 s16  }
.LBB2_12:
0x1bf: {  	s16 =	simm.s32 $0x40  }
0x1c0: {  	v10 =	vld [tilespmem:s16+$0x30]  }
0x1c1: {  	v9 =	vld [tilespmem:s16+$0xFFFFFFD0]  }
0x1c2: {  	v8 =	vld [tilespmem:s16+$0xFFFFFFE0]  }
0x1c3: {  	v7 =	vld [tilespmem:s16+$0xFFFFFFF0]  }
0x1c4: {  	v6 =	vld [tilespmem:s16+$0x0]  }
0x1c5: {  	v2 =	vmov s0;
	v4 =	vld [tilespmem:s16+$0x10];
	v5 =	vand.u32 $0x7FFFFFFF, v10  }
0x1c6: {  	v3 =	vld [tilespmem:s16+$0x20];
	v11 =	vand.u32 $0x7FFFFFFF, v9;
	vm1 =	vgt.s32 v2, v5  }
0x1c7: {  	s17 =	simm.s32 $0x0;
	s18 =	simm.s32 $0xC0;
	v5 =	vld [tilespmem:s16+$0xFFFFFFC0];
	vm0 =	vgt.s32 v2, v11;
	v11 =	vand.u32 $0x7FFFFFFF, v8;
	v10 =	vsel vm1, $0x0, v10  }
.LBB2_13:
0x1c8: {  	v12 =	vld [tilespmem:s18+$0x30];
	s17 =	sadd.s32 $0x8, s17;
	v13 =	vsel vm0, $0x0, v9;
	vm0 =	vgt.s32 v2, v11;
	v11 =	vand.u32 $0x7FFFFFFF, v7;
	[tilespmem:s16+$0x30] =	vst v10  }
0x1c9: {  	v9 =	vld [tilespmem:s18+$0xFFFFFFD0];
	p0 =	slt.u32 s17, $0xF8;
	[tilespmem:s16+$0xFFFFFFD0] =	vst v13;
	v10 =	vsel vm0, $0x0, v8;
	vm0 =	vgt.s32 v2, v11;
	v11 =	vand.u32 $0x7FFFFFFF, v6  }
0x1ca: {  	v8 =	vld [tilespmem:s18+$0xFFFFFFE0];
	[tilespmem:s16+$0xFFFFFFE0] =	vst v10;
	v10 =	vsel vm0, $0x0, v7;
	vm0 =	vgt.s32 v2, v11;
	v11 =	vand.u32 $0x7FFFFFFF, v4  }
.Ltmp22:
0x1cb: {  	v7 =	vld [tilespmem:s18+$0xFFFFFFF0];
	[tilespmem:s16+$0xFFFFFFF0] =	vst v10;
	v10 =	vsel vm0, $0x0, v6;
	vm0 =	vgt.s32 v2, v11;
	v11 =	vand.u32 $0x7FFFFFFF, v3;
	(pc) =	sbr.rel @p0 .LBB2_13-.Ltmp22, $4  }
0x1cc: {  	v6 =	vld [tilespmem:s18+$0x0];
	v13 =	vand.u32 $0x7FFFFFFF, v5;
	[tilespmem:s16+$0x0] =	vst v10;
	v10 =	vsel vm0, $0x0, v4;
	vm0 =	vgt.s32 v2, v11  }
0x1cd: {  	v4 =	vld [tilespmem:s18+$0x10];
	v11 =	vand.u32 $0x7FFFFFFF, v12;
	vm1 =	vgt.s32 v2, v13;
	[tilespmem:s16+$0x10] =	vst v10;
	v10 =	vsel vm0, $0x0, v3  }
0x1ce: {  	v13 =	vand.u32 $0x7FFFFFFF, v9;
	v3 =	vld [tilespmem:s18+$0x20];
	vm2 =	vgt.s32 v2, v11;
	v14 =	vsel vm1, $0x0, v5;
	[tilespmem:s16+$0x20] =	vst v10  }
0x1cf: {  	v5 =	vld [tilespmem:s18+$0xFFFFFFC0];
	vm0 =	vgt.s32 v2, v13;
	v11 =	vand.u32 $0x7FFFFFFF, v8;
	v10 =	vsel vm2, $0x0, v12;
	[tilespmem:s16+$0xFFFFFFC0] =	vst v14;
	s16 =	smov.u32 s18;
	s18 =	sadd.s32 $0x80, s18  }
0x1d0: {  	v9 =	vsel vm0, $0x0, v9;
	vm0 =	vgt.s32 v2, v11;
	v11 =	vand.u32 $0x7FFFFFFF, v7;
	[tilespmem:s16+$0x30] =	vst v10  }
0x1d1: {  	[tilespmem:s16+$0xFFFFFFD0] =	vst v9;
	v8 =	vsel vm0, $0x0, v8;
	vm0 =	vgt.s32 v2, v11;
	v9 =	vand.u32 $0x7FFFFFFF, v6  }
0x1d2: {  	[tilespmem:s16+$0xFFFFFFE0] =	vst v8;
	v7 =	vsel vm0, $0x0, v7;
	vm0 =	vgt.s32 v2, v9;
	v8 =	vand.u32 $0x7FFFFFFF, v4  }
0x1d3: {  	[tilespmem:s16+$0xFFFFFFF0] =	vst v7;
	v6 =	vsel vm0, $0x0, v6;
	vm0 =	vgt.s32 v2, v8;
	v7 =	vand.u32 $0x7FFFFFFF, v3  }
0x1d4: {  	v8 =	vand.u32 $0x7FFFFFFF, v5;
	[tilespmem:s16+$0x0] =	vst v6;
	v4 =	vsel vm0, $0x0, v4;
	vm0 =	vgt.s32 v2, v7  }
0x1d5: {  	vm1 =	vgt.s32 v2, v8;
	[tilespmem:s16+$0x10] =	vst v4;
	v3 =	vsel vm0, $0x0, v3  }
0x1d6: {  	v4 =	vsel vm1, $0x0, v5;
	[tilespmem:s16+$0x20] =	vst v3  }
0x1d7: {  	[tilespmem:s16+$0xFFFFFFC0] =	vst v4;
	s16 =	simm.s32 $0x1070  }
0x1d8: {  	[hbm4b:s5+s8] =	stream.strided.scatter [tilespmem:s2], [sflag:$0x3], $0x1000, s9, s8, $0x38;
	[tilespmem:$0xA100] =	vst v63  }
0x1d9: {  	v10 =	vld [tilespmem:s16+$0x0]  }
0x1da: {  	v9 =	vld [tilespmem:s16+$0xFFFFFFA0]  }
0x1db: {  	v8 =	vld [tilespmem:s16+$0xFFFFFFB0]  }
0x1dc: {  	v7 =	vld [tilespmem:s16+$0xFFFFFFC0]  }
0x1dd: {  	v6 =	vld [tilespmem:s16+$0xFFFFFFD0]  }
0x1de: {  	v4 =	vld [tilespmem:s16+$0xFFFFFFE0];
	v5 =	vand.u32 $0x7FFFFFFF, v10  }
0x1df: {  	v3 =	vld [tilespmem:s16+$0xFFFFFFF0];
	v11 =	vand.u32 $0x7FFFFFFF, v9;
	vm1 =	vgt.s32 v2, v5  }
0x1e0: {  	s17 =	simm.s32 $0x100;
	s18 =	simm.s32 $0x10F0;
	v5 =	vld [tilespmem:s16+$0xFFFFFF90];
	vm0 =	vgt.s32 v2, v11;
	v11 =	vand.u32 $0x7FFFFFFF, v8;
	v10 =	vsel vm1, $0x0, v10  }
.LBB2_15:
0x1e1: {  	v12 =	vld [tilespmem:s18+$0x0];
	s17 =	sadd.s32 $0x8, s17;
	v13 =	vsel vm0, $0x0, v9;
	vm0 =	vgt.s32 v2, v11;
	v11 =	vand.u32 $0x7FFFFFFF, v7;
	[tilespmem:s16+$0x0] =	vst v10  }
0x1e2: {  	v9 =	vld [tilespmem:s18+$0xFFFFFFA0];
	p0 =	slt.u32 s17, $0x1F8;
	[tilespmem:s16+$0xFFFFFFA0] =	vst v13;
	v10 =	vsel vm0, $0x0, v8;
	vm0 =	vgt.s32 v2, v11;
	v11 =	vand.u32 $0x7FFFFFFF, v6  }
0x1e3: {  	v8 =	vld [tilespmem:s18+$0xFFFFFFB0];
	[tilespmem:s16+$0xFFFFFFB0] =	vst v10;
	v10 =	vsel vm0, $0x0, v7;
	vm0 =	vgt.s32 v2, v11;
	v11 =	vand.u32 $0x7FFFFFFF, v4  }
.Ltmp23:
0x1e4: {  	v7 =	vld [tilespmem:s18+$0xFFFFFFC0];
	[tilespmem:s16+$0xFFFFFFC0] =	vst v10;
	v10 =	vsel vm0, $0x0, v6;
	vm0 =	vgt.s32 v2, v11;
	v11 =	vand.u32 $0x7FFFFFFF, v3;
	(pc) =	sbr.rel @p0 .LBB2_15-.Ltmp23, $4  }
0x1e5: {  	v6 =	vld [tilespmem:s18+$0xFFFFFFD0];
	v13 =	vand.u32 $0x7FFFFFFF, v5;
	[tilespmem:s16+$0xFFFFFFD0] =	vst v10;
	v10 =	vsel vm0, $0x0, v4;
	vm0 =	vgt.s32 v2, v11  }
0x1e6: {  	v4 =	vld [tilespmem:s18+$0xFFFFFFE0];
	v11 =	vand.u32 $0x7FFFFFFF, v12;
	vm1 =	vgt.s32 v2, v13;
	[tilespmem:s16+$0xFFFFFFE0] =	vst v10;
	v10 =	vsel vm0, $0x0, v3  }
0x1e7: {  	v13 =	vand.u32 $0x7FFFFFFF, v9;
	v3 =	vld [tilespmem:s18+$0xFFFFFFF0];
	vm2 =	vgt.s32 v2, v11;
	v14 =	vsel vm1, $0x0, v5;
	[tilespmem:s16+$0xFFFFFFF0] =	vst v10  }
0x1e8: {  	v5 =	vld [tilespmem:s18+$0xFFFFFF90];
	vm0 =	vgt.s32 v2, v13;
	v11 =	vand.u32 $0x7FFFFFFF, v8;
	v10 =	vsel vm2, $0x0, v12;
	[tilespmem:s16+$0xFFFFFF90] =	vst v14;
	s16 =	smov.u32 s18;
	s18 =	sadd.s32 $0x80, s18  }
0x1e9: {  	v9 =	vsel vm0, $0x0, v9;
	vm11 =	vgt.s32 v2, v11;
	v56 =	vand.u32 $0x7FFFFFFF, v7;
	[tilespmem:s16+$0x0] =	vst v10  }
0x1ea: {  	[tilespmem:s16+$0xFFFFFFA0] =	vst v9;
	v8 =	vsel vm11, $0x0, v8;
	vm12 =	vgt.s32 v2, v56;
	v57 =	vand.u32 $0x7FFFFFFF, v6  }
0x1eb: {  	[tilespmem:s16+$0xFFFFFFB0] =	vst v8;
	v58 =	vsel vm12, $0x0, v7;
	vm13 =	vgt.s32 v2, v57;
	v59 =	vand.u32 $0x7FFFFFFF, v4  }
0x1ec: {  	[tilespmem:s16+$0xFFFFFFC0] =	vst v58;
	v60 =	vsel vm13, $0x0, v6;
	vm14 =	vgt.s32 v2, v59;
	v61 =	vand.u32 $0x7FFFFFFF, v3  }
0x1ed: {  	v62 =	vand.u32 $0x7FFFFFFF, v5;
	[tilespmem:s16+$0xFFFFFFD0] =	vst v60;
	v63 =	vsel vm14, $0x0, v4;
	vm15 =	vgt.s32 v2, v61  }
0x1ee: {  	vm1 =	vgt.s32 v2, v62;
	[tilespmem:s16+$0xFFFFFFE0] =	vst v63;
	v2 =	vsel vm15, $0x0, v3  }
0x1ef: {  	v3 =	vsel vm1, $0x0, v5;
	[tilespmem:s16+$0xFFFFFFF0] =	vst v2  }
0x1f0: {  	s15 =	sadd.s32 $0x1, s15;
	[tilespmem:s16+$0xFFFFFF90] =	vst v3  }
0x1f1: {  	[hbm4b:s6+s8] =	stream.strided.scatter [tilespmem:s10], [sflag:$0x4], $0x1000, s9, s8, $0x38;
	[tilespmem:$0xA100] =	vst v63  }
0x1f2: {  	p0 =	sne.s32 s15, s7;
	_ =	swait.ge [sflag:s13], $0x1000  }
.Ltmp24:
0x1f3: {  	[sflag:s13] =	ssyncset.done $0x0;
	(pc) =	sbr.rel @p0 .LBB2_1-.Ltmp24, $4  }
0x1f4: {  	[sflag:s13] =	ssyncadd.s32 $0xFFFFF000  }
0x1f5: {  	_ =	swait.ge [sflag:s14], $0x1000  }
0x1f6: {  	[sflag:s14] =	ssyncset.done $0x0  }
0x1f7: {  	[sflag:s14] =	ssyncadd.s32 $0xFFFFF000  }
0x1f8: {  	_ =	sfence.sel $0x180000  }
0x1f9: {  	[bflag:$0x0] =	sbarrier.arrive $0xFFFF  }
0x1fa: {  	_ =	strace $0x90000047  }
0x1fb: {  	[bflag:$0x2] =	sbarrier.arrive $0xFFFF  }
0x1fc: {  	p0 =	sne.s32 s1, $0x0;
	s0 =	rddreg [dreg:$0x2]  }
0x1fd: {  	s0 =	sadd.s32 @!p0 $0x100000, s0  }
0x1fe: {  	[sflag:s0] =	ssyncadd.tile.s32 @!p0 $0x1;
	_ =	shalt  }
.Lfunc_end2:
_tile_overlayer_lowered:
.L_overlay_start_2:
0x1ff: {  	(tag) =	ssettag $0x2  }
0x200: {  	s0 =	rddreg [dreg:$0x0];
	s2 =	stileid.u32  }
0x201: {  	s1 =	rddreg [dreg:$0x1];
	p0 =	sne.s32 s2, $0x0  }
0x202: {  	s3 =	rddreg [dreg:$0x2];
	[bflag:$0x3] =	sbarrier.arrive $0xFFFF;
	s2 =	simm.s32 @!p0 $0x1C05  }
0x203: {  	[timem:s3], [sflag:s2] =	dma.local @!p0 [hbm:s0], s1  }
0x204: {  	s0 =	simm.s32 @!p0 $0x5  }
0x205: {  	_ =	swait.ge @!p0 [sflag:s0], s1  }
0x206: {  	s1 =	ssub.s32 @!p0 $0x0, s1;
	[sflag:s0] =	ssyncset.done @!p0 $0x0  }
0x207: {  	[sflag:s0] =	ssyncadd.s32 @!p0 s1  }
0x208: {  	[bflag:$0x3] =	sbarrier.arrive $0xFFFF  }
0x209: {  	_ =	shalt  }

</sc_bundles>
